<compile_context>
chip_gen: v7x
topology: tpu7x:2x2x1
jax: 0.10.2.dev20260603
libtpu: 0.0.44.dev20260713+nightly
codegen_flags: <defaults>
</compile_context>

<pallas_src>
import functools

import jax
import jax.numpy as jnp
from jax import lax
from jax.experimental import pallas as pl
from jax.experimental.pallas import tpu as pltpu
from jax.experimental.pallas import tpu_sc as plsc


M_TILE = 1024
K_TILE = 2048


def _argmin_body(z_ref, p_ref, out_ref, minval_ref, minidx_ref):
    k = pl.program_id(0)
    m = pl.program_id(1)
    z = z_ref[...]
    p = p_ref[...]
    z2 = jnp.sum(z * z, axis=1, keepdims=True)
    c2 = jnp.sum(p * p, axis=1)
    cross = lax.dot_general(z, p, (((1,), (1,)), ((), ())),
                            preferred_element_type=jnp.float32)
    d = jnp.maximum(z2 + c2[None, :] - 2.0 * cross, 0.0)
    lmin = jnp.min(d, axis=1, keepdims=True)
    iota = lax.broadcasted_iota(jnp.int32, d.shape, 1)
    larg = jnp.min(jnp.where(d == lmin, iota, 2**30), axis=1)
    lminv = lmin[:, 0]
    karg = larg + k * K_TILE

    @pl.when(k == 0)
    def _init():
        minval_ref[m, :] = lminv
        minidx_ref[m, :] = karg

    @pl.when(k > 0)
    def _update():
        better = lminv < minval_ref[m, :]
        minval_ref[m, :] = jnp.where(better, lminv, minval_ref[m, :])
        minidx_ref[m, :] = jnp.where(better, karg, minidx_ref[m, :])

    @pl.when(k == pl.num_programs(0) - 1)
    def _emit():
        out_ref[0, 0, :] = minidx_ref[m, :]


def _tc_argmin(z, protos):
    m_total, d_dim = z.shape
    k_total = protos.shape[0]
    nm = m_total // M_TILE
    nk = k_total // K_TILE
    return pl.pallas_call(
        _argmin_body,
        grid=(nk, nm),
        in_specs=[
            pl.BlockSpec((M_TILE, d_dim), lambda k, m: (m, 0)),
            pl.BlockSpec((K_TILE, d_dim), lambda k, m: (k, 0)),
        ],
        out_specs=pl.BlockSpec((1, 1, M_TILE), lambda k, m: (m, 0, 0)),
        out_shape=jax.ShapeDtypeStruct((nm, 1, M_TILE), jnp.int32),
        scratch_shapes=[
            pltpu.VMEM((nm, M_TILE), jnp.float32),
            pltpu.VMEM((nm, M_TILE), jnp.int32),
        ],
    )(z, protos)


_NC, _NS = 2, 16
_CHUNK = 128


def _make_sc_scatter(m_total, k_total, d_dim):
    dh = d_dim // _NC
    ppt = m_total // _NS
    n_chunks = ppt // _CHUNK
    k_rows = k_total // _NS
    mesh = plsc.VectorSubcoreMesh(core_axis_name="c", subcore_axis_name="s")

    @functools.partial(
        pl.kernel, mesh=mesh,
        out_type=[jax.ShapeDtypeStruct((k_total, d_dim), jnp.float32),
                  jax.ShapeDtypeStruct((k_total,), jnp.float32)],
        scratch_types=[
            pltpu.VMEM((n_chunks, _CHUNK), jnp.int32),
            pltpu.VMEM((_CHUNK, dh), jnp.float32),
            pltpu.VMEM((_CHUNK,), jnp.float32),
            pltpu.VMEM_SHARED((k_total, dh), jnp.float32),
            pltpu.VMEM_SHARED((k_total,), jnp.float32),
        ],
    )
    def scatter(z_hbm, idx_hbm, zeros2_hbm, zeros1_hbm, sums_hbm, cnt_hbm,
                idx_v, rows_v, ones_v, acc_sh, cnt_sh):
        c = lax.axis_index("c")
        s = lax.axis_index("s")
        pltpu.sync_copy(zeros2_hbm.at[pl.ds(s * k_rows, k_rows)],
                        acc_sh.at[pl.ds(s * k_rows, k_rows)])

        @pl.when(c == 0)
        def _zero_counts():
            pltpu.sync_copy(zeros1_hbm.at[pl.ds(s * k_rows, k_rows)],
                            cnt_sh.at[pl.ds(s * k_rows, k_rows)])

        pltpu.sync_copy(idx_hbm.at[pl.ds(s * n_chunks, n_chunks)], idx_v)
        for i in range(_CHUNK // 16):
            ones_v[pl.ds(i * 16, 16)] = jnp.full((16,), 1.0, jnp.float32)
        plsc.subcore_barrier()

        for j in range(n_chunks):
            pbase = s * ppt + j * _CHUNK
            pltpu.sync_copy(z_hbm.at[pl.ds(pbase, _CHUNK),
                                     pl.ds(c * dh, dh)], rows_v)
            pltpu.sync_copy(rows_v, acc_sh.at[idx_v.at[j]], add=True)

            @pl.when(c == 0)
            def _count():
                pltpu.sync_copy(ones_v, cnt_sh.at[idx_v.at[j]], add=True)

        plsc.subcore_barrier()
        pltpu.sync_copy(acc_sh.at[pl.ds(s * k_rows, k_rows)],
                        sums_hbm.at[pl.ds(s * k_rows, k_rows),
                                    pl.ds(c * dh, dh)])

        @pl.when(c == 0)
        def _emit_counts():
            pltpu.sync_copy(cnt_sh.at[pl.ds(s * k_rows, k_rows)],
                            cnt_hbm.at[pl.ds(s * k_rows, k_rows)])

    return scatter


def kernel(batch, protos):
    b, n, d_dim = batch.shape
    k_total = protos.shape[0]
    m_total = b * n
    z = batch.reshape(m_total, d_dim)
    closest = _tc_argmin(z, protos).reshape(b, n)
    idx2d = closest.reshape(m_total // _CHUNK, _CHUNK)
    zeros2 = jnp.zeros((k_total, d_dim // _NC), jnp.float32)
    zeros1 = jnp.zeros((k_total,), jnp.float32)
    sums, counts = _make_sc_scatter(m_total, k_total, d_dim)(
        z, idx2d, zeros2, zeros1)
    return closest, sums, counts

# --- scband reference (transcript-rebuilt; emitter-appended) ---
"""Pipeline reference for scband-centroid-module-41231686042216 (READ-ONLY COPY).

The authoritative reference and input builder live on the scoring server;
editing this copy changes nothing except your own understanding.
"""

import jax, jax.numpy as jnp
import numpy as np

NUM_CENTROIDS = 8192
REPR_DIM = 256
B, N = 32, 1024


def setup_inputs(seed: int = 0) -> dict:
    key = jax.random.key(seed)
    k1, k2 = jax.random.split(key)
    batch = jax.random.normal(k1, (B, N, REPR_DIM), dtype=jnp.float32)
    # protos parameter as in __init__: randn / (5.0 * sqrt(reprDim))
    protos = jax.random.normal(k2, (NUM_CENTROIDS, REPR_DIM), dtype=jnp.float32) / (5.0 * np.sqrt(REPR_DIM))
    return {"batch": batch, "protos": protos}


def _se_distances_to_centroids(batch, protos):
    # squared euclidean distances: ||z||^2 + ||c||^2 - 2 z.c
    z2 = jnp.sum(batch * batch, axis=-1, keepdims=True)  # [B, N, 1]
    c2 = jnp.sum(protos * protos, axis=-1)                # [K]
    cross = jnp.einsum('bnd,kd->bnk', batch, protos)      # [B, N, K]
    return z2 + c2[None, None, :] - 2.0 * cross


def reference(batch, protos):
    distsSq = _se_distances_to_centroids(batch, protos)
    distsSq = jnp.clip(distsSq, 0.0)                      # torch.clamp(min=0)
    closest = jnp.argmin(distsSq, axis=-1)                # [B, N]
    flat = batch.reshape(-1, batch.shape[-1])             # [B*N, D]
    flat_idx = closest.reshape(-1)                        # [B*N]
    # getBatchSums: scatter-add points to their closest centroid
    batchSums = jax.ops.segment_sum(flat, flat_idx, num_segments=protos.shape[0])  # [K, D]
    closestCounts = jnp.bincount(flat_idx, length=protos.shape[0]).astype(jnp.float32)  # [K]
    return closest, batchSums, closestCounts

if __name__ == "__main__":
    import jax
    _d = setup_inputs()
    print(jax.jit(kernel)(*tuple(_d.values())))

</pallas_src>

<mosaic_0001>
#map = affine_map<(d0, d1) -> (0, 0)>
#map1 = affine_map<(d0, d1) -> (0)>
module attributes {stable_mosaic.version = 14 : i64} {
  func.func @scatter(%arg0: i32, %arg1: i32, %arg2: memref<32768x256xf32, #tpu.memory_space<hbm>>, %arg3: memref<256x128xi32, #tpu.memory_space<hbm>>, %arg4: memref<8192x128xf32, #tpu.memory_space<hbm>>, %arg5: memref<8192xf32, #tpu.memory_space<hbm>>, %arg6: memref<8192x256xf32, #tpu.memory_space<hbm>>, %arg7: memref<8192xf32, #tpu.memory_space<hbm>>, %arg8: memref<16x128xi32, #tpu.memory_space<vmem>>, %arg9: memref<128x128xf32, #tpu.memory_space<vmem>>, %arg10: memref<128xf32, #tpu.memory_space<vmem>>, %arg11: memref<8192x128xf32, #tpu.memory_space<vmem_shared>>, %arg12: memref<8192xf32, #tpu.memory_space<vmem_shared>>) attributes {dimension_semantics = [#tpu.dimension_semantics<core_parallel>, #tpu.dimension_semantics<subcore_parallel>], iteration_bounds = array<i64: 2, 16>, scalar_prefetch = 0 : i64, scratch_operands = 5 : i64, tpu.core_type = #tpu.core_type<sc_vector_subcore>, window_params = [{transform_indices = #map}, {transform_indices = #map}, {transform_indices = #map}, {transform_indices = #map1}, {transform_indices = #map}, {transform_indices = #map1}]} {
    %mul3A = arith.constant 512 : i32
    %mul3A_0 = arith.muli %arg1, %mul3A : i32
    %mul3A_1 = arith.constant 512 : i32
    %mul3A_2 = arith.muli %arg1, %mul3A_1 : i32
    "tpu.region"() ({
      %run_scoped3A_255 = tpu.sem_alloc : memref<!tpu.dma_semaphore, #tpu.memory_space<semaphore_mem>>
      %dma_start3A = arith.constant 0 : i32
      %dma_start3A_256 = tpu.memref_slice %arg11[%mul3A_2, %dma_start3A] : memref<8192x128xf32, #tpu.memory_space<vmem_shared>> -> memref<512x128xf32, #tpu.memory_space<vmem_shared>>
      %dma_start3A_257 = arith.constant 0 : i32
      %dma_start3A_258 = tpu.memref_slice %arg4[%mul3A_0, %dma_start3A_257] : memref<8192x128xf32, #tpu.memory_space<hbm>> -> memref<512x128xf32, #tpu.memory_space<hbm>>
      tpu.enqueue_dma source(%dma_start3A_258 : memref<512x128xf32, #tpu.memory_space<hbm>>) target(%dma_start3A_256 : memref<512x128xf32, #tpu.memory_space<vmem_shared>>) target_semaphore(%run_scoped3A_255 : memref<!tpu.dma_semaphore, #tpu.memory_space<semaphore_mem>>)
      %dma_wait3A = arith.constant 0 : i32
      %dma_wait3A_259 = tpu.memref_slice %arg11[%mul3A_2, %dma_wait3A] : memref<8192x128xf32, #tpu.memory_space<vmem_shared>> -> memref<512x128xf32, #tpu.memory_space<vmem_shared>>
      %dma_wait3A_260 = arith.constant 0 : i32
      %dma_wait3A_261 = tpu.memref_slice %arg4[%mul3A_0, %dma_wait3A_260] : memref<8192x128xf32, #tpu.memory_space<hbm>> -> memref<512x128xf32, #tpu.memory_space<hbm>>
      tpu.wait_dma2 semaphore(%run_scoped3A_255 : memref<!tpu.dma_semaphore, #tpu.memory_space<semaphore_mem>>) src(%dma_wait3A_261 : memref<512x128xf32, #tpu.memory_space<hbm>>) dst(%dma_wait3A_259 : memref<512x128xf32, #tpu.memory_space<vmem_shared>>)
      tpu.yield
    }) : () -> ()
    %eq3A = arith.constant 0 : i32
    %eq3A_3 = arith.cmpi eq, %arg0, %eq3A : i32
    %convert_element_type3A = arith.extui %eq3A_3 : i1 to i32
    %cond3A = arith.constant 0 : i32
    %cond3A_4 = arith.cmpi ne, %convert_element_type3A, %cond3A : i32
    scf.if %cond3A_4 {
      %mul3A_255 = arith.constant 512 : i32
      %mul3A_256 = arith.muli %arg1, %mul3A_255 : i32
      %mul3A_257 = arith.constant 512 : i32
      %mul3A_258 = arith.muli %arg1, %mul3A_257 : i32
      "tpu.region"() ({
        %run_scoped3A_259 = tpu.sem_alloc : memref<!tpu.dma_semaphore, #tpu.memory_space<semaphore_mem>>
        %dma_start3A = tpu.memref_slice %arg12[%mul3A_258] : memref<8192xf32, #tpu.memory_space<vmem_shared>> -> memref<512xf32, #tpu.memory_space<vmem_shared>>
        %dma_start3A_260 = tpu.memref_slice %arg5[%mul3A_256] : memref<8192xf32, #tpu.memory_space<hbm>> -> memref<512xf32, #tpu.memory_space<hbm>>
        tpu.enqueue_dma source(%dma_start3A_260 : memref<512xf32, #tpu.memory_space<hbm>>) target(%dma_start3A : memref<512xf32, #tpu.memory_space<vmem_shared>>) target_semaphore(%run_scoped3A_259 : memref<!tpu.dma_semaphore, #tpu.memory_space<semaphore_mem>>)
        %dma_wait3A = tpu.memref_slice %arg12[%mul3A_258] : memref<8192xf32, #tpu.memory_space<vmem_shared>> -> memref<512xf32, #tpu.memory_space<vmem_shared>>
        %dma_wait3A_261 = tpu.memref_slice %arg5[%mul3A_256] : memref<8192xf32, #tpu.memory_space<hbm>> -> memref<512xf32, #tpu.memory_space<hbm>>
        tpu.wait_dma2 semaphore(%run_scoped3A_259 : memref<!tpu.dma_semaphore, #tpu.memory_space<semaphore_mem>>) src(%dma_wait3A_261 : memref<512xf32, #tpu.memory_space<hbm>>) dst(%dma_wait3A : memref<512xf32, #tpu.memory_space<vmem_shared>>)
        tpu.yield
      }) : () -> ()
    } else {
    }
    %mul3A_5 = arith.constant 16 : i32
    %mul3A_6 = arith.muli %arg1, %mul3A_5 : i32
    "tpu.region"() ({
      %run_scoped3A_255 = tpu.sem_alloc : memref<!tpu.dma_semaphore, #tpu.memory_space<semaphore_mem>>
      %dma_start3A = arith.constant 0 : i32
      %dma_start3A_256 = tpu.memref_slice %arg3[%mul3A_6, %dma_start3A] : memref<256x128xi32, #tpu.memory_space<hbm>> -> memref<16x128xi32, #tpu.memory_space<hbm>>
      %dma_start3A_257 = arith.constant 0 : i32
      %dma_start3A_258 = tpu.memref_slice %arg3[%mul3A_6, %dma_start3A_257] : memref<256x128xi32, #tpu.memory_space<hbm>> -> memref<16x128xi32, #tpu.memory_space<hbm>>
      tpu.enqueue_dma source(%dma_start3A_258 : memref<16x128xi32, #tpu.memory_space<hbm>>) target(%arg8 : memref<16x128xi32, #tpu.memory_space<vmem>>) target_semaphore(%run_scoped3A_255 : memref<!tpu.dma_semaphore, #tpu.memory_space<semaphore_mem>>)
      %dma_wait3A = arith.constant 0 : i32
      %dma_wait3A_259 = tpu.memref_slice %arg3[%mul3A_6, %dma_wait3A] : memref<256x128xi32, #tpu.memory_space<hbm>> -> memref<16x128xi32, #tpu.memory_space<hbm>>
      %dma_wait3A_260 = arith.constant 0 : i32
      %dma_wait3A_261 = tpu.memref_slice %arg3[%mul3A_6, %dma_wait3A_260] : memref<256x128xi32, #tpu.memory_space<hbm>> -> memref<16x128xi32, #tpu.memory_space<hbm>>
      tpu.wait_dma2 semaphore(%run_scoped3A_255 : memref<!tpu.dma_semaphore, #tpu.memory_space<semaphore_mem>>) src(%dma_wait3A_261 : memref<16x128xi32, #tpu.memory_space<hbm>>) dst(%arg8 : memref<16x128xi32, #tpu.memory_space<vmem>>)
      tpu.yield
    }) : () -> ()
    %broadcast_in_dim3A = arith.constant 1.000000e+00 : f32
    %broadcast_in_dim3A_7 = vector.broadcast %broadcast_in_dim3A : f32 to vector<16xf32>
    %swap3A = arith.constant 0 : index
    %swap3A_8 = tpu.vector_load %arg10[%swap3A] {strides = array<i32>} : memref<128xf32, #tpu.memory_space<vmem>>, vector<16xf32>,
    %swap3A_9 = vector.shape_cast %swap3A_8 : vector<16xf32> to vector<16xf32>
    %swap3A_10 = vector.shape_cast %broadcast_in_dim3A_7 : vector<16xf32> to vector<16xf32>
    tpu.vector_store %arg10[%swap3A], %swap3A_10 {strides = array<i32>} : memref<128xf32, #tpu.memory_space<vmem>>, vector<16xf32>,
    %broadcast_in_dim3A_11 = arith.constant 1.000000e+00 : f32
    %broadcast_in_dim3A_12 = vector.broadcast %broadcast_in_dim3A_11 : f32 to vector<16xf32>
    %swap3A_13 = arith.constant 16 : index
    %swap3A_14 = tpu.vector_load %arg10[%swap3A_13] {strides = array<i32>} : memref<128xf32, #tpu.memory_space<vmem>>, vector<16xf32>,
    %swap3A_15 = vector.shape_cast %swap3A_14 : vector<16xf32> to vector<16xf32>
    %swap3A_16 = vector.shape_cast %broadcast_in_dim3A_12 : vector<16xf32> to vector<16xf32>
    tpu.vector_store %arg10[%swap3A_13], %swap3A_16 {strides = array<i32>} : memref<128xf32, #tpu.memory_space<vmem>>, vector<16xf32>,
    %broadcast_in_dim3A_17 = arith.constant 1.000000e+00 : f32
    %broadcast_in_dim3A_18 = vector.broadcast %broadcast_in_dim3A_17 : f32 to vector<16xf32>
    %swap3A_19 = arith.constant 32 : index
    %swap3A_20 = tpu.vector_load %arg10[%swap3A_19] {strides = array<i32>} : memref<128xf32, #tpu.memory_space<vmem>>, vector<16xf32>,
    %swap3A_21 = vector.shape_cast %swap3A_20 : vector<16xf32> to vector<16xf32>
    %swap3A_22 = vector.shape_cast %broadcast_in_dim3A_18 : vector<16xf32> to vector<16xf32>
    tpu.vector_store %arg10[%swap3A_19], %swap3A_22 {strides = array<i32>} : memref<128xf32, #tpu.memory_space<vmem>>, vector<16xf32>,
    %broadcast_in_dim3A_23 = arith.constant 1.000000e+00 : f32
    %broadcast_in_dim3A_24 = vector.broadcast %broadcast_in_dim3A_23 : f32 to vector<16xf32>
    %swap3A_25 = arith.constant 48 : index
    %swap3A_26 = tpu.vector_load %arg10[%swap3A_25] {strides = array<i32>} : memref<128xf32, #tpu.memory_space<vmem>>, vector<16xf32>,
    %swap3A_27 = vector.shape_cast %swap3A_26 : vector<16xf32> to vector<16xf32>
    %swap3A_28 = vector.shape_cast %broadcast_in_dim3A_24 : vector<16xf32> to vector<16xf32>
    tpu.vector_store %arg10[%swap3A_25], %swap3A_28 {strides = array<i32>} : memref<128xf32, #tpu.memory_space<vmem>>, vector<16xf32>,
    %broadcast_in_dim3A_29 = arith.constant 1.000000e+00 : f32
    %broadcast_in_dim3A_30 = vector.broadcast %broadcast_in_dim3A_29 : f32 to vector<16xf32>
    %swap3A_31 = arith.constant 64 : index
    %swap3A_32 = tpu.vector_load %arg10[%swap3A_31] {strides = array<i32>} : memref<128xf32, #tpu.memory_space<vmem>>, vector<16xf32>,
    %swap3A_33 = vector.shape_cast %swap3A_32 : vector<16xf32> to vector<16xf32>
    %swap3A_34 = vector.shape_cast %broadcast_in_dim3A_30 : vector<16xf32> to vector<16xf32>
    tpu.vector_store %arg10[%swap3A_31], %swap3A_34 {strides = array<i32>} : memref<128xf32, #tpu.memory_space<vmem>>, vector<16xf32>,
    %broadcast_in_dim3A_35 = arith.constant 1.000000e+00 : f32
    %broadcast_in_dim3A_36 = vector.broadcast %broadcast_in_dim3A_35 : f32 to vector<16xf32>
    %swap3A_37 = arith.constant 80 : index
    %swap3A_38 = tpu.vector_load %arg10[%swap3A_37] {strides = array<i32>} : memref<128xf32, #tpu.memory_space<vmem>>, vector<16xf32>,
    %swap3A_39 = vector.shape_cast %swap3A_38 : vector<16xf32> to vector<16xf32>
    %swap3A_40 = vector.shape_cast %broadcast_in_dim3A_36 : vector<16xf32> to vector<16xf32>
    tpu.vector_store %arg10[%swap3A_37], %swap3A_40 {strides = array<i32>} : memref<128xf32, #tpu.memory_space<vmem>>, vector<16xf32>,
    %broadcast_in_dim3A_41 = arith.constant 1.000000e+00 : f32
    %broadcast_in_dim3A_42 = vector.broadcast %broadcast_in_dim3A_41 : f32 to vector<16xf32>
    %swap3A_43 = arith.constant 96 : index
    %swap3A_44 = tpu.vector_load %arg10[%swap3A_43] {strides = array<i32>} : memref<128xf32, #tpu.memory_space<vmem>>, vector<16xf32>,
    %swap3A_45 = vector.shape_cast %swap3A_44 : vector<16xf32> to vector<16xf32>
    %swap3A_46 = vector.shape_cast %broadcast_in_dim3A_42 : vector<16xf32> to vector<16xf32>
    tpu.vector_store %arg10[%swap3A_43], %swap3A_46 {strides = array<i32>} : memref<128xf32, #tpu.memory_space<vmem>>, vector<16xf32>,
    %broadcast_in_dim3A_47 = arith.constant 1.000000e+00 : f32
    %broadcast_in_dim3A_48 = vector.broadcast %broadcast_in_dim3A_47 : f32 to vector<16xf32>
    %swap3A_49 = arith.constant 112 : index
    %swap3A_50 = tpu.vector_load %arg10[%swap3A_49] {strides = array<i32>} : memref<128xf32, #tpu.memory_space<vmem>>, vector<16xf32>,
    %swap3A_51 = vector.shape_cast %swap3A_50 : vector<16xf32> to vector<16xf32>
    %swap3A_52 = vector.shape_cast %broadcast_in_dim3A_48 : vector<16xf32> to vector<16xf32>
    tpu.vector_store %arg10[%swap3A_49], %swap3A_52 {strides = array<i32>} : memref<128xf32, #tpu.memory_space<vmem>>, vector<16xf32>,
    %barrier3A = arith.constant 0 : index
    tpu.barrier barrier_id(%barrier3A)
    %mul3A_53 = arith.constant 2048 : i32
    %mul3A_54 = arith.muli %arg1, %mul3A_53 : i32
    %add3A = arith.constant 0 : i32
    %add3A_55 = arith.addi %mul3A_54, %add3A : i32
    %mul3A_56 = arith.constant 128 : i32
    %mul3A_57 = arith.muli %arg0, %mul3A_56 : i32
    "tpu.region"() ({
      %run_scoped3A_255 = tpu.sem_alloc : memref<!tpu.dma_semaphore, #tpu.memory_space<semaphore_mem>>
      %dma_start3A = tpu.memref_slice %arg2[%add3A_55, %mul3A_57] : memref<32768x256xf32, #tpu.memory_space<hbm>> -> memref<128x128xf32, #tpu.memory_space<hbm>>
      %dma_start3A_256 = tpu.memref_slice %arg2[%add3A_55, %mul3A_57] : memref<32768x256xf32, #tpu.memory_space<hbm>> -> memref<128x128xf32, #tpu.memory_space<hbm>>
      tpu.enqueue_dma source(%dma_start3A_256 : memref<128x128xf32, #tpu.memory_space<hbm>>) target(%arg9 : memref<128x128xf32, #tpu.memory_space<vmem>>) target_semaphore(%run_scoped3A_255 : memref<!tpu.dma_semaphore, #tpu.memory_space<semaphore_mem>>)
      %dma_wait3A = tpu.memref_slice %arg2[%add3A_55, %mul3A_57] : memref<32768x256xf32, #tpu.memory_space<hbm>> -> memref<128x128xf32, #tpu.memory_space<hbm>>
      %dma_wait3A_257 = tpu.memref_slice %arg2[%add3A_55, %mul3A_57] : memref<32768x256xf32, #tpu.memory_space<hbm>> -> memref<128x128xf32, #tpu.memory_space<hbm>>
      tpu.wait_dma2 semaphore(%run_scoped3A_255 : memref<!tpu.dma_semaphore, #tpu.memory_space<semaphore_mem>>) src(%dma_wait3A_257 : memref<128x128xf32, #tpu.memory_space<hbm>>) dst(%arg9 : memref<128x128xf32, #tpu.memory_space<vmem>>)
      tpu.yield
    }) : () -> ()
    %run_scoped3A = arith.constant 0 : i32
    "tpu.region"() ({
      %run_scoped3A_255 = tpu.sem_alloc : memref<!tpu.dma_semaphore, #tpu.memory_space<semaphore_mem>>
      %dma_start3A = arith.constant 0 : i32
      %dma_start3A_256 = tpu.memref_slice %arg8[%run_scoped3A, %dma_start3A] : memref<16x128xi32, #tpu.memory_space<vmem>> -> memref<1x128xi32, #tpu.memory_space<vmem>>
      %dma_start3A_257 = tpu.memref_squeeze %dma_start3A_256 : memref<1x128xi32, #tpu.memory_space<vmem>> -> memref<128xi32, #tpu.memory_space<vmem>>
      %dma_start3A_258 = arith.constant 0 : i32
      %dma_start3A_259 = arith.constant 0 : i32
      %dma_start3A_260 = tpu.memref_slice %arg11[%dma_start3A_258, %dma_start3A_259] : memref<8192x128xf32, #tpu.memory_space<vmem_shared>> -> memref<8192x128xf32, #tpu.memory_space<vmem_shared>>
      tpu.enqueue_indirect_dma source(%arg9 : memref<128x128xf32, #tpu.memory_space<vmem>>) target(%dma_start3A_260 : memref<8192x128xf32, #tpu.memory_space<vmem_shared>>) offsets(%dma_start3A_257 : memref<128xi32, #tpu.memory_space<vmem>>) semaphore(%run_scoped3A_255 : memref<!tpu.dma_semaphore, #tpu.memory_space<semaphore_mem>>) {add = true}
      %dma_wait3A = arith.constant 0 : i32
      %dma_wait3A_261 = tpu.memref_slice %arg8[%run_scoped3A, %dma_wait3A] : memref<16x128xi32, #tpu.memory_space<vmem>> -> memref<1x128xi32, #tpu.memory_space<vmem>>
      %dma_wait3A_262 = tpu.memref_squeeze %dma_wait3A_261 : memref<1x128xi32, #tpu.memory_space<vmem>> -> memref<128xi32, #tpu.memory_space<vmem>>
      %dma_wait3A_263 = arith.constant 0 : i32
      %dma_wait3A_264 = arith.constant 0 : i32
      %dma_wait3A_265 = tpu.memref_slice %arg11[%dma_wait3A_263, %dma_wait3A_264] : memref<8192x128xf32, #tpu.memory_space<vmem_shared>> -> memref<8192x128xf32, #tpu.memory_space<vmem_shared>>
      tpu.wait_indirect_dma semaphore(%run_scoped3A_255 : memref<!tpu.dma_semaphore, #tpu.memory_space<semaphore_mem>>) src(%arg9 : memref<128x128xf32, #tpu.memory_space<vmem>>) dst(%dma_wait3A_265 : memref<8192x128xf32, #tpu.memory_space<vmem_shared>>)
      tpu.yield
    }) : () -> ()
    %eq3A_58 = arith.constant 0 : i32
    %eq3A_59 = arith.cmpi eq, %arg0, %eq3A_58 : i32
    %convert_element_type3A_60 = arith.extui %eq3A_59 : i1 to i32
    %cond3A_61 = arith.constant 0 : i32
    %cond3A_62 = arith.cmpi ne, %convert_element_type3A_60, %cond3A_61 : i32
    scf.if %cond3A_62 {
      %run_scoped3A_255 = arith.constant 0 : i32
      "tpu.region"() ({
        %run_scoped3A_256 = tpu.sem_alloc : memref<!tpu.dma_semaphore, #tpu.memory_space<semaphore_mem>>
        %dma_start3A = arith.constant 0 : i32
        %dma_start3A_257 = tpu.memref_slice %arg8[%run_scoped3A_255, %dma_start3A] : memref<16x128xi32, #tpu.memory_space<vmem>> -> memref<1x128xi32, #tpu.memory_space<vmem>>
        %dma_start3A_258 = tpu.memref_squeeze %dma_start3A_257 : memref<1x128xi32, #tpu.memory_space<vmem>> -> memref<128xi32, #tpu.memory_space<vmem>>
        %dma_start3A_259 = arith.constant 0 : i32
        %dma_start3A_260 = tpu.memref_slice %arg12[%dma_start3A_259] : memref<8192xf32, #tpu.memory_space<vmem_shared>> -> memref<8192xf32, #tpu.memory_space<vmem_shared>>
        tpu.enqueue_indirect_dma source(%arg10 : memref<128xf32, #tpu.memory_space<vmem>>) target(%dma_start3A_260 : memref<8192xf32, #tpu.memory_space<vmem_shared>>) offsets(%dma_start3A_258 : memref<128xi32, #tpu.memory_space<vmem>>) semaphore(%run_scoped3A_256 : memref<!tpu.dma_semaphore, #tpu.memory_space<semaphore_mem>>) {add = true}
        %dma_wait3A = arith.constant 0 : i32
        %dma_wait3A_261 = tpu.memref_slice %arg8[%run_scoped3A_255, %dma_wait3A] : memref<16x128xi32, #tpu.memory_space<vmem>> -> memref<1x128xi32, #tpu.memory_space<vmem>>
        %dma_wait3A_262 = tpu.memref_squeeze %dma_wait3A_261 : memref<1x128xi32, #tpu.memory_space<vmem>> -> memref<128xi32, #tpu.memory_space<vmem>>
        %dma_wait3A_263 = arith.constant 0 : i32
        %dma_wait3A_264 = tpu.memref_slice %arg12[%dma_wait3A_263] : memref<8192xf32, #tpu.memory_space<vmem_shared>> -> memref<8192xf32, #tpu.memory_space<vmem_shared>>
        tpu.wait_indirect_dma semaphore(%run_scoped3A_256 : memref<!tpu.dma_semaphore, #tpu.memory_space<semaphore_mem>>) src(%arg10 : memref<128xf32, #tpu.memory_space<vmem>>) dst(%dma_wait3A_264 : memref<8192xf32, #tpu.memory_space<vmem_shared>>)
        tpu.yield
      }) : () -> ()
    } else {
    }
    %mul3A_63 = arith.constant 2048 : i32
    %mul3A_64 = arith.muli %arg1, %mul3A_63 : i32
    %add3A_65 = arith.constant 128 : i32
    %add3A_66 = arith.addi %mul3A_64, %add3A_65 : i32
    %mul3A_67 = arith.constant 128 : i32
    %mul3A_68 = arith.muli %arg0, %mul3A_67 : i32
    "tpu.region"() ({
      %run_scoped3A_255 = tpu.sem_alloc : memref<!tpu.dma_semaphore, #tpu.memory_space<semaphore_mem>>
      %dma_start3A = tpu.memref_slice %arg2[%add3A_66, %mul3A_68] : memref<32768x256xf32, #tpu.memory_space<hbm>> -> memref<128x128xf32, #tpu.memory_space<hbm>>
      %dma_start3A_256 = tpu.memref_slice %arg2[%add3A_66, %mul3A_68] : memref<32768x256xf32, #tpu.memory_space<hbm>> -> memref<128x128xf32, #tpu.memory_space<hbm>>
      tpu.enqueue_dma source(%dma_start3A_256 : memref<128x128xf32, #tpu.memory_space<hbm>>) target(%arg9 : memref<128x128xf32, #tpu.memory_space<vmem>>) target_semaphore(%run_scoped3A_255 : memref<!tpu.dma_semaphore, #tpu.memory_space<semaphore_mem>>)
      %dma_wait3A = tpu.memref_slice %arg2[%add3A_66, %mul3A_68] : memref<32768x256xf32, #tpu.memory_space<hbm>> -> memref<128x128xf32, #tpu.memory_space<hbm>>
      %dma_wait3A_257 = tpu.memref_slice %arg2[%add3A_66, %mul3A_68] : memref<32768x256xf32, #tpu.memory_space<hbm>> -> memref<128x128xf32, #tpu.memory_space<hbm>>
      tpu.wait_dma2 semaphore(%run_scoped3A_255 : memref<!tpu.dma_semaphore, #tpu.memory_space<semaphore_mem>>) src(%dma_wait3A_257 : memref<128x128xf32, #tpu.memory_space<hbm>>) dst(%arg9 : memref<128x128xf32, #tpu.memory_space<vmem>>)
      tpu.yield
    }) : () -> ()
    %run_scoped3A_69 = arith.constant 1 : i32
    "tpu.region"() ({
      %run_scoped3A_255 = tpu.sem_alloc : memref<!tpu.dma_semaphore, #tpu.memory_space<semaphore_mem>>
      %dma_start3A = arith.constant 0 : i32
      %dma_start3A_256 = tpu.memref_slice %arg8[%run_scoped3A_69, %dma_start3A] : memref<16x128xi32, #tpu.memory_space<vmem>> -> memref<1x128xi32, #tpu.memory_space<vmem>>
      %dma_start3A_257 = tpu.memref_squeeze %dma_start3A_256 : memref<1x128xi32, #tpu.memory_space<vmem>> -> memref<128xi32, #tpu.memory_space<vmem>>
      %dma_start3A_258 = arith.constant 0 : i32
      %dma_start3A_259 = arith.constant 0 : i32
      %dma_start3A_260 = tpu.memref_slice %arg11[%dma_start3A_258, %dma_start3A_259] : memref<8192x128xf32, #tpu.memory_space<vmem_shared>> -> memref<8192x128xf32, #tpu.memory_space<vmem_shared>>
      tpu.enqueue_indirect_dma source(%arg9 : memref<128x128xf32, #tpu.memory_space<vmem>>) target(%dma_start3A_260 : memref<8192x128xf32, #tpu.memory_space<vmem_shared>>) offsets(%dma_start3A_257 : memref<128xi32, #tpu.memory_space<vmem>>) semaphore(%run_scoped3A_255 : memref<!tpu.dma_semaphore, #tpu.memory_space<semaphore_mem>>) {add = true}
      %dma_wait3A = arith.constant 0 : i32
      %dma_wait3A_261 = tpu.memref_slice %arg8[%run_scoped3A_69, %dma_wait3A] : memref<16x128xi32, #tpu.memory_space<vmem>> -> memref<1x128xi32, #tpu.memory_space<vmem>>
      %dma_wait3A_262 = tpu.memref_squeeze %dma_wait3A_261 : memref<1x128xi32, #tpu.memory_space<vmem>> -> memref<128xi32, #tpu.memory_space<vmem>>
      %dma_wait3A_263 = arith.constant 0 : i32
      %dma_wait3A_264 = arith.constant 0 : i32
      %dma_wait3A_265 = tpu.memref_slice %arg11[%dma_wait3A_263, %dma_wait3A_264] : memref<8192x128xf32, #tpu.memory_space<vmem_shared>> -> memref<8192x128xf32, #tpu.memory_space<vmem_shared>>
      tpu.wait_indirect_dma semaphore(%run_scoped3A_255 : memref<!tpu.dma_semaphore, #tpu.memory_space<semaphore_mem>>) src(%arg9 : memref<128x128xf32, #tpu.memory_space<vmem>>) dst(%dma_wait3A_265 : memref<8192x128xf32, #tpu.memory_space<vmem_shared>>)
      tpu.yield
    }) : () -> ()
    %eq3A_70 = arith.constant 0 : i32
    %eq3A_71 = arith.cmpi eq, %arg0, %eq3A_70 : i32
    %convert_element_type3A_72 = arith.extui %eq3A_71 : i1 to i32
    %cond3A_73 = arith.constant 0 : i32
    %cond3A_74 = arith.cmpi ne, %convert_element_type3A_72, %cond3A_73 : i32
    scf.if %cond3A_74 {
      %run_scoped3A_255 = arith.constant 1 : i32
      "tpu.region"() ({
        %run_scoped3A_256 = tpu.sem_alloc : memref<!tpu.dma_semaphore, #tpu.memory_space<semaphore_mem>>
        %dma_start3A = arith.constant 0 : i32
        %dma_start3A_257 = tpu.memref_slice %arg8[%run_scoped3A_255, %dma_start3A] : memref<16x128xi32, #tpu.memory_space<vmem>> -> memref<1x128xi32, #tpu.memory_space<vmem>>
        %dma_start3A_258 = tpu.memref_squeeze %dma_start3A_257 : memref<1x128xi32, #tpu.memory_space<vmem>> -> memref<128xi32, #tpu.memory_space<vmem>>
        %dma_start3A_259 = arith.constant 0 : i32
        %dma_start3A_260 = tpu.memref_slice %arg12[%dma_start3A_259] : memref<8192xf32, #tpu.memory_space<vmem_shared>> -> memref<8192xf32, #tpu.memory_space<vmem_shared>>
        tpu.enqueue_indirect_dma source(%arg10 : memref<128xf32, #tpu.memory_space<vmem>>) target(%dma_start3A_260 : memref<8192xf32, #tpu.memory_space<vmem_shared>>) offsets(%dma_start3A_258 : memref<128xi32, #tpu.memory_space<vmem>>) semaphore(%run_scoped3A_256 : memref<!tpu.dma_semaphore, #tpu.memory_space<semaphore_mem>>) {add = true}
        %dma_wait3A = arith.constant 0 : i32
        %dma_wait3A_261 = tpu.memref_slice %arg8[%run_scoped3A_255, %dma_wait3A] : memref<16x128xi32, #tpu.memory_space<vmem>> -> memref<1x128xi32, #tpu.memory_space<vmem>>
        %dma_wait3A_262 = tpu.memref_squeeze %dma_wait3A_261 : memref<1x128xi32, #tpu.memory_space<vmem>> -> memref<128xi32, #tpu.memory_space<vmem>>
        %dma_wait3A_263 = arith.constant 0 : i32
        %dma_wait3A_264 = tpu.memref_slice %arg12[%dma_wait3A_263] : memref<8192xf32, #tpu.memory_space<vmem_shared>> -> memref<8192xf32, #tpu.memory_space<vmem_shared>>
        tpu.wait_indirect_dma semaphore(%run_scoped3A_256 : memref<!tpu.dma_semaphore, #tpu.memory_space<semaphore_mem>>) src(%arg10 : memref<128xf32, #tpu.memory_space<vmem>>) dst(%dma_wait3A_264 : memref<8192xf32, #tpu.memory_space<vmem_shared>>)
        tpu.yield
      }) : () -> ()
    } else {
    }
    %mul3A_75 = arith.constant 2048 : i32
    %mul3A_76 = arith.muli %arg1, %mul3A_75 : i32
    %add3A_77 = arith.constant 256 : i32
    %add3A_78 = arith.addi %mul3A_76, %add3A_77 : i32
    %mul3A_79 = arith.constant 128 : i32
    %mul3A_80 = arith.muli %arg0, %mul3A_79 : i32
    "tpu.region"() ({
      %run_scoped3A_255 = tpu.sem_alloc : memref<!tpu.dma_semaphore, #tpu.memory_space<semaphore_mem>>
      %dma_start3A = tpu.memref_slice %arg2[%add3A_78, %mul3A_80] : memref<32768x256xf32, #tpu.memory_space<hbm>> -> memref<128x128xf32, #tpu.memory_space<hbm>>
      %dma_start3A_256 = tpu.memref_slice %arg2[%add3A_78, %mul3A_80] : memref<32768x256xf32, #tpu.memory_space<hbm>> -> memref<128x128xf32, #tpu.memory_space<hbm>>
      tpu.enqueue_dma source(%dma_start3A_256 : memref<128x128xf32, #tpu.memory_space<hbm>>) target(%arg9 : memref<128x128xf32, #tpu.memory_space<vmem>>) target_semaphore(%run_scoped3A_255 : memref<!tpu.dma_semaphore, #tpu.memory_space<semaphore_mem>>)
      %dma_wait3A = tpu.memref_slice %arg2[%add3A_78, %mul3A_80] : memref<32768x256xf32, #tpu.memory_space<hbm>> -> memref<128x128xf32, #tpu.memory_space<hbm>>
      %dma_wait3A_257 = tpu.memref_slice %arg2[%add3A_78, %mul3A_80] : memref<32768x256xf32, #tpu.memory_space<hbm>> -> memref<128x128xf32, #tpu.memory_space<hbm>>
      tpu.wait_dma2 semaphore(%run_scoped3A_255 : memref<!tpu.dma_semaphore, #tpu.memory_space<semaphore_mem>>) src(%dma_wait3A_257 : memref<128x128xf32, #tpu.memory_space<hbm>>) dst(%arg9 : memref<128x128xf32, #tpu.memory_space<vmem>>)
      tpu.yield
    }) : () -> ()
    %run_scoped3A_81 = arith.constant 2 : i32
    "tpu.region"() ({
      %run_scoped3A_255 = tpu.sem_alloc : memref<!tpu.dma_semaphore, #tpu.memory_space<semaphore_mem>>
      %dma_start3A = arith.constant 0 : i32
      %dma_start3A_256 = tpu.memref_slice %arg8[%run_scoped3A_81, %dma_start3A] : memref<16x128xi32, #tpu.memory_space<vmem>> -> memref<1x128xi32, #tpu.memory_space<vmem>>
      %dma_start3A_257 = tpu.memref_squeeze %dma_start3A_256 : memref<1x128xi32, #tpu.memory_space<vmem>> -> memref<128xi32, #tpu.memory_space<vmem>>
      %dma_start3A_258 = arith.constant 0 : i32
      %dma_start3A_259 = arith.constant 0 : i32
      %dma_start3A_260 = tpu.memref_slice %arg11[%dma_start3A_258, %dma_start3A_259] : memref<8192x128xf32, #tpu.memory_space<vmem_shared>> -> memref<8192x128xf32, #tpu.memory_space<vmem_shared>>
      tpu.enqueue_indirect_dma source(%arg9 : memref<128x128xf32, #tpu.memory_space<vmem>>) target(%dma_start3A_260 : memref<8192x128xf32, #tpu.memory_space<vmem_shared>>) offsets(%dma_start3A_257 : memref<128xi32, #tpu.memory_space<vmem>>) semaphore(%run_scoped3A_255 : memref<!tpu.dma_semaphore, #tpu.memory_space<semaphore_mem>>) {add = true}
      %dma_wait3A = arith.constant 0 : i32
      %dma_wait3A_261 = tpu.memref_slice %arg8[%run_scoped3A_81, %dma_wait3A] : memref<16x128xi32, #tpu.memory_space<vmem>> -> memref<1x128xi32, #tpu.memory_space<vmem>>
      %dma_wait3A_262 = tpu.memref_squeeze %dma_wait3A_261 : memref<1x128xi32, #tpu.memory_space<vmem>> -> memref<128xi32, #tpu.memory_space<vmem>>
      %dma_wait3A_263 = arith.constant 0 : i32
      %dma_wait3A_264 = arith.constant 0 : i32
      %dma_wait3A_265 = tpu.memref_slice %arg11[%dma_wait3A_263, %dma_wait3A_264] : memref<8192x128xf32, #tpu.memory_space<vmem_shared>> -> memref<8192x128xf32, #tpu.memory_space<vmem_shared>>
      tpu.wait_indirect_dma semaphore(%run_scoped3A_255 : memref<!tpu.dma_semaphore, #tpu.memory_space<semaphore_mem>>) src(%arg9 : memref<128x128xf32, #tpu.memory_space<vmem>>) dst(%dma_wait3A_265 : memref<8192x128xf32, #tpu.memory_space<vmem_shared>>)
      tpu.yield
    }) : () -> ()
    %eq3A_82 = arith.constant 0 : i32
    %eq3A_83 = arith.cmpi eq, %arg0, %eq3A_82 : i32
    %convert_element_type3A_84 = arith.extui %eq3A_83 : i1 to i32
    %cond3A_85 = arith.constant 0 : i32
    %cond3A_86 = arith.cmpi ne, %convert_element_type3A_84, %cond3A_85 : i32
    scf.if %cond3A_86 {
      %run_scoped3A_255 = arith.constant 2 : i32
      "tpu.region"() ({
        %run_scoped3A_256 = tpu.sem_alloc : memref<!tpu.dma_semaphore, #tpu.memory_space<semaphore_mem>>
        %dma_start3A = arith.constant 0 : i32
        %dma_start3A_257 = tpu.memref_slice %arg8[%run_scoped3A_255, %dma_start3A] : memref<16x128xi32, #tpu.memory_space<vmem>> -> memref<1x128xi32, #tpu.memory_space<vmem>>
        %dma_start3A_258 = tpu.memref_squeeze %dma_start3A_257 : memref<1x128xi32, #tpu.memory_space<vmem>> -> memref<128xi32, #tpu.memory_space<vmem>>
        %dma_start3A_259 = arith.constant 0 : i32
        %dma_start3A_260 = tpu.memref_slice %arg12[%dma_start3A_259] : memref<8192xf32, #tpu.memory_space<vmem_shared>> -> memref<8192xf32, #tpu.memory_space<vmem_shared>>
        tpu.enqueue_indirect_dma source(%arg10 : memref<128xf32, #tpu.memory_space<vmem>>) target(%dma_start3A_260 : memref<8192xf32, #tpu.memory_space<vmem_shared>>) offsets(%dma_start3A_258 : memref<128xi32, #tpu.memory_space<vmem>>) semaphore(%run_scoped3A_256 : memref<!tpu.dma_semaphore, #tpu.memory_space<semaphore_mem>>) {add = true}
        %dma_wait3A = arith.constant 0 : i32
        %dma_wait3A_261 = tpu.memref_slice %arg8[%run_scoped3A_255, %dma_wait3A] : memref<16x128xi32, #tpu.memory_space<vmem>> -> memref<1x128xi32, #tpu.memory_space<vmem>>
        %dma_wait3A_262 = tpu.memref_squeeze %dma_wait3A_261 : memref<1x128xi32, #tpu.memory_space<vmem>> -> memref<128xi32, #tpu.memory_space<vmem>>
        %dma_wait3A_263 = arith.constant 0 : i32
        %dma_wait3A_264 = tpu.memref_slice %arg12[%dma_wait3A_263] : memref<8192xf32, #tpu.memory_space<vmem_shared>> -> memref<8192xf32, #tpu.memory_space<vmem_shared>>
        tpu.wait_indirect_dma semaphore(%run_scoped3A_256 : memref<!tpu.dma_semaphore, #tpu.memory_space<semaphore_mem>>) src(%arg10 : memref<128xf32, #tpu.memory_space<vmem>>) dst(%dma_wait3A_264 : memref<8192xf32, #tpu.memory_space<vmem_shared>>)
        tpu.yield
      }) : () -> ()
    } else {
    }
    %mul3A_87 = arith.constant 2048 : i32
    %mul3A_88 = arith.muli %arg1, %mul3A_87 : i32
    %add3A_89 = arith.constant 384 : i32
    %add3A_90 = arith.addi %mul3A_88, %add3A_89 : i32
    %mul3A_91 = arith.constant 128 : i32
    %mul3A_92 = arith.muli %arg0, %mul3A_91 : i32
    "tpu.region"() ({
      %run_scoped3A_255 = tpu.sem_alloc : memref<!tpu.dma_semaphore, #tpu.memory_space<semaphore_mem>>
      %dma_start3A = tpu.memref_slice %arg2[%add3A_90, %mul3A_92] : memref<32768x256xf32, #tpu.memory_space<hbm>> -> memref<128x128xf32, #tpu.memory_space<hbm>>
      %dma_start3A_256 = tpu.memref_slice %arg2[%add3A_90, %mul3A_92] : memref<32768x256xf32, #tpu.memory_space<hbm>> -> memref<128x128xf32, #tpu.memory_space<hbm>>
      tpu.enqueue_dma source(%dma_start3A_256 : memref<128x128xf32, #tpu.memory_space<hbm>>) target(%arg9 : memref<128x128xf32, #tpu.memory_space<vmem>>) target_semaphore(%run_scoped3A_255 : memref<!tpu.dma_semaphore, #tpu.memory_space<semaphore_mem>>)
      %dma_wait3A = tpu.memref_slice %arg2[%add3A_90, %mul3A_92] : memref<32768x256xf32, #tpu.memory_space<hbm>> -> memref<128x128xf32, #tpu.memory_space<hbm>>
      %dma_wait3A_257 = tpu.memref_slice %arg2[%add3A_90, %mul3A_92] : memref<32768x256xf32, #tpu.memory_space<hbm>> -> memref<128x128xf32, #tpu.memory_space<hbm>>
      tpu.wait_dma2 semaphore(%run_scoped3A_255 : memref<!tpu.dma_semaphore, #tpu.memory_space<semaphore_mem>>) src(%dma_wait3A_257 : memref<128x128xf32, #tpu.memory_space<hbm>>) dst(%arg9 : memref<128x128xf32, #tpu.memory_space<vmem>>)
      tpu.yield
    }) : () -> ()
    %run_scoped3A_93 = arith.constant 3 : i32
    "tpu.region"() ({
      %run_scoped3A_255 = tpu.sem_alloc : memref<!tpu.dma_semaphore, #tpu.memory_space<semaphore_mem>>
      %dma_start3A = arith.constant 0 : i32
      %dma_start3A_256 = tpu.memref_slice %arg8[%run_scoped3A_93, %dma_start3A] : memref<16x128xi32, #tpu.memory_space<vmem>> -> memref<1x128xi32, #tpu.memory_space<vmem>>
      %dma_start3A_257 = tpu.memref_squeeze %dma_start3A_256 : memref<1x128xi32, #tpu.memory_space<vmem>> -> memref<128xi32, #tpu.memory_space<vmem>>
      %dma_start3A_258 = arith.constant 0 : i32
      %dma_start3A_259 = arith.constant 0 : i32
      %dma_start3A_260 = tpu.memref_slice %arg11[%dma_start3A_258, %dma_start3A_259] : memref<8192x128xf32, #tpu.memory_space<vmem_shared>> -> memref<8192x128xf32, #tpu.memory_space<vmem_shared>>
      tpu.enqueue_indirect_dma source(%arg9 : memref<128x128xf32, #tpu.memory_space<vmem>>) target(%dma_start3A_260 : memref<8192x128xf32, #tpu.memory_space<vmem_shared>>) offsets(%dma_start3A_257 : memref<128xi32, #tpu.memory_space<vmem>>) semaphore(%run_scoped3A_255 : memref<!tpu.dma_semaphore, #tpu.memory_space<semaphore_mem>>) {add = true}
      %dma_wait3A = arith.constant 0 : i32
      %dma_wait3A_261 = tpu.memref_slice %arg8[%run_scoped3A_93, %dma_wait3A] : memref<16x128xi32, #tpu.memory_space<vmem>> -> memref<1x128xi32, #tpu.memory_space<vmem>>
      %dma_wait3A_262 = tpu.memref_squeeze %dma_wait3A_261 : memref<1x128xi32, #tpu.memory_space<vmem>> -> memref<128xi32, #tpu.memory_space<vmem>>
      %dma_wait3A_263 = arith.constant 0 : i32
      %dma_wait3A_264 = arith.constant 0 : i32
      %dma_wait3A_265 = tpu.memref_slice %arg11[%dma_wait3A_263, %dma_wait3A_264] : memref<8192x128xf32, #tpu.memory_space<vmem_shared>> -> memref<8192x128xf32, #tpu.memory_space<vmem_shared>>
      tpu.wait_indirect_dma semaphore(%run_scoped3A_255 : memref<!tpu.dma_semaphore, #tpu.memory_space<semaphore_mem>>) src(%arg9 : memref<128x128xf32, #tpu.memory_space<vmem>>) dst(%dma_wait3A_265 : memref<8192x128xf32, #tpu.memory_space<vmem_shared>>)
      tpu.yield
    }) : () -> ()
    %eq3A_94 = arith.constant 0 : i32
    %eq3A_95 = arith.cmpi eq, %arg0, %eq3A_94 : i32
    %convert_element_type3A_96 = arith.extui %eq3A_95 : i1 to i32
    %cond3A_97 = arith.constant 0 : i32
    %cond3A_98 = arith.cmpi ne, %convert_element_type3A_96, %cond3A_97 : i32
    scf.if %cond3A_98 {
      %run_scoped3A_255 = arith.constant 3 : i32
      "tpu.region"() ({
        %run_scoped3A_256 = tpu.sem_alloc : memref<!tpu.dma_semaphore, #tpu.memory_space<semaphore_mem>>
        %dma_start3A = arith.constant 0 : i32
        %dma_start3A_257 = tpu.memref_slice %arg8[%run_scoped3A_255, %dma_start3A] : memref<16x128xi32, #tpu.memory_space<vmem>> -> memref<1x128xi32, #tpu.memory_space<vmem>>
        %dma_start3A_258 = tpu.memref_squeeze %dma_start3A_257 : memref<1x128xi32, #tpu.memory_space<vmem>> -> memref<128xi32, #tpu.memory_space<vmem>>
        %dma_start3A_259 = arith.constant 0 : i32
        %dma_start3A_260 = tpu.memref_slice %arg12[%dma_start3A_259] : memref<8192xf32, #tpu.memory_space<vmem_shared>> -> memref<8192xf32, #tpu.memory_space<vmem_shared>>
        tpu.enqueue_indirect_dma source(%arg10 : memref<128xf32, #tpu.memory_space<vmem>>) target(%dma_start3A_260 : memref<8192xf32, #tpu.memory_space<vmem_shared>>) offsets(%dma_start3A_258 : memref<128xi32, #tpu.memory_space<vmem>>) semaphore(%run_scoped3A_256 : memref<!tpu.dma_semaphore, #tpu.memory_space<semaphore_mem>>) {add = true}
        %dma_wait3A = arith.constant 0 : i32
        %dma_wait3A_261 = tpu.memref_slice %arg8[%run_scoped3A_255, %dma_wait3A] : memref<16x128xi32, #tpu.memory_space<vmem>> -> memref<1x128xi32, #tpu.memory_space<vmem>>
        %dma_wait3A_262 = tpu.memref_squeeze %dma_wait3A_261 : memref<1x128xi32, #tpu.memory_space<vmem>> -> memref<128xi32, #tpu.memory_space<vmem>>
        %dma_wait3A_263 = arith.constant 0 : i32
        %dma_wait3A_264 = tpu.memref_slice %arg12[%dma_wait3A_263] : memref<8192xf32, #tpu.memory_space<vmem_shared>> -> memref<8192xf32, #tpu.memory_space<vmem_shared>>
        tpu.wait_indirect_dma semaphore(%run_scoped3A_256 : memref<!tpu.dma_semaphore, #tpu.memory_space<semaphore_mem>>) src(%arg10 : memref<128xf32, #tpu.memory_space<vmem>>) dst(%dma_wait3A_264 : memref<8192xf32, #tpu.memory_space<vmem_shared>>)
        tpu.yield
      }) : () -> ()
    } else {
    }
    %mul3A_99 = arith.constant 2048 : i32
    %mul3A_100 = arith.muli %arg1, %mul3A_99 : i32
    %add3A_101 = arith.constant 512 : i32
    %add3A_102 = arith.addi %mul3A_100, %add3A_101 : i32
    %mul3A_103 = arith.constant 128 : i32
    %mul3A_104 = arith.muli %arg0, %mul3A_103 : i32
    "tpu.region"() ({
      %run_scoped3A_255 = tpu.sem_alloc : memref<!tpu.dma_semaphore, #tpu.memory_space<semaphore_mem>>
      %dma_start3A = tpu.memref_slice %arg2[%add3A_102, %mul3A_104] : memref<32768x256xf32, #tpu.memory_space<hbm>> -> memref<128x128xf32, #tpu.memory_space<hbm>>
      %dma_start3A_256 = tpu.memref_slice %arg2[%add3A_102, %mul3A_104] : memref<32768x256xf32, #tpu.memory_space<hbm>> -> memref<128x128xf32, #tpu.memory_space<hbm>>
      tpu.enqueue_dma source(%dma_start3A_256 : memref<128x128xf32, #tpu.memory_space<hbm>>) target(%arg9 : memref<128x128xf32, #tpu.memory_space<vmem>>) target_semaphore(%run_scoped3A_255 : memref<!tpu.dma_semaphore, #tpu.memory_space<semaphore_mem>>)
      %dma_wait3A = tpu.memref_slice %arg2[%add3A_102, %mul3A_104] : memref<32768x256xf32, #tpu.memory_space<hbm>> -> memref<128x128xf32, #tpu.memory_space<hbm>>
      %dma_wait3A_257 = tpu.memref_slice %arg2[%add3A_102, %mul3A_104] : memref<32768x256xf32, #tpu.memory_space<hbm>> -> memref<128x128xf32, #tpu.memory_space<hbm>>
      tpu.wait_dma2 semaphore(%run_scoped3A_255 : memref<!tpu.dma_semaphore, #tpu.memory_space<semaphore_mem>>) src(%dma_wait3A_257 : memref<128x128xf32, #tpu.memory_space<hbm>>) dst(%arg9 : memref<128x128xf32, #tpu.memory_space<vmem>>)
      tpu.yield
    }) : () -> ()
    %run_scoped3A_105 = arith.constant 4 : i32
    "tpu.region"() ({
      %run_scoped3A_255 = tpu.sem_alloc : memref<!tpu.dma_semaphore, #tpu.memory_space<semaphore_mem>>
      %dma_start3A = arith.constant 0 : i32
      %dma_start3A_256 = tpu.memref_slice %arg8[%run_scoped3A_105, %dma_start3A] : memref<16x128xi32, #tpu.memory_space<vmem>> -> memref<1x128xi32, #tpu.memory_space<vmem>>
      %dma_start3A_257 = tpu.memref_squeeze %dma_start3A_256 : memref<1x128xi32, #tpu.memory_space<vmem>> -> memref<128xi32, #tpu.memory_space<vmem>>
      %dma_start3A_258 = arith.constant 0 : i32
      %dma_start3A_259 = arith.constant 0 : i32
      %dma_start3A_260 = tpu.memref_slice %arg11[%dma_start3A_258, %dma_start3A_259] : memref<8192x128xf32, #tpu.memory_space<vmem_shared>> -> memref<8192x128xf32, #tpu.memory_space<vmem_shared>>
      tpu.enqueue_indirect_dma source(%arg9 : memref<128x128xf32, #tpu.memory_space<vmem>>) target(%dma_start3A_260 : memref<8192x128xf32, #tpu.memory_space<vmem_shared>>) offsets(%dma_start3A_257 : memref<128xi32, #tpu.memory_space<vmem>>) semaphore(%run_scoped3A_255 : memref<!tpu.dma_semaphore, #tpu.memory_space<semaphore_mem>>) {add = true}
      %dma_wait3A = arith.constant 0 : i32
      %dma_wait3A_261 = tpu.memref_slice %arg8[%run_scoped3A_105, %dma_wait3A] : memref<16x128xi32, #tpu.memory_space<vmem>> -> memref<1x128xi32, #tpu.memory_space<vmem>>
      %dma_wait3A_262 = tpu.memref_squeeze %dma_wait3A_261 : memref<1x128xi32, #tpu.memory_space<vmem>> -> memref<128xi32, #tpu.memory_space<vmem>>
      %dma_wait3A_263 = arith.constant 0 : i32
      %dma_wait3A_264 = arith.constant 0 : i32
      %dma_wait3A_265 = tpu.memref_slice %arg11[%dma_wait3A_263, %dma_wait3A_264] : memref<8192x128xf32, #tpu.memory_space<vmem_shared>> -> memref<8192x128xf32, #tpu.memory_space<vmem_shared>>
      tpu.wait_indirect_dma semaphore(%run_scoped3A_255 : memref<!tpu.dma_semaphore, #tpu.memory_space<semaphore_mem>>) src(%arg9 : memref<128x128xf32, #tpu.memory_space<vmem>>) dst(%dma_wait3A_265 : memref<8192x128xf32, #tpu.memory_space<vmem_shared>>)
      tpu.yield
    }) : () -> ()
    %eq3A_106 = arith.constant 0 : i32
    %eq3A_107 = arith.cmpi eq, %arg0, %eq3A_106 : i32
    %convert_element_type3A_108 = arith.extui %eq3A_107 : i1 to i32
    %cond3A_109 = arith.constant 0 : i32
    %cond3A_110 = arith.cmpi ne, %convert_element_type3A_108, %cond3A_109 : i32
    scf.if %cond3A_110 {
      %run_scoped3A_255 = arith.constant 4 : i32
      "tpu.region"() ({
        %run_scoped3A_256 = tpu.sem_alloc : memref<!tpu.dma_semaphore, #tpu.memory_space<semaphore_mem>>
        %dma_start3A = arith.constant 0 : i32
        %dma_start3A_257 = tpu.memref_slice %arg8[%run_scoped3A_255, %dma_start3A] : memref<16x128xi32, #tpu.memory_space<vmem>> -> memref<1x128xi32, #tpu.memory_space<vmem>>
        %dma_start3A_258 = tpu.memref_squeeze %dma_start3A_257 : memref<1x128xi32, #tpu.memory_space<vmem>> -> memref<128xi32, #tpu.memory_space<vmem>>
        %dma_start3A_259 = arith.constant 0 : i32
        %dma_start3A_260 = tpu.memref_slice %arg12[%dma_start3A_259] : memref<8192xf32, #tpu.memory_space<vmem_shared>> -> memref<8192xf32, #tpu.memory_space<vmem_shared>>
        tpu.enqueue_indirect_dma source(%arg10 : memref<128xf32, #tpu.memory_space<vmem>>) target(%dma_start3A_260 : memref<8192xf32, #tpu.memory_space<vmem_shared>>) offsets(%dma_start3A_258 : memref<128xi32, #tpu.memory_space<vmem>>) semaphore(%run_scoped3A_256 : memref<!tpu.dma_semaphore, #tpu.memory_space<semaphore_mem>>) {add = true}
        %dma_wait3A = arith.constant 0 : i32
        %dma_wait3A_261 = tpu.memref_slice %arg8[%run_scoped3A_255, %dma_wait3A] : memref<16x128xi32, #tpu.memory_space<vmem>> -> memref<1x128xi32, #tpu.memory_space<vmem>>
        %dma_wait3A_262 = tpu.memref_squeeze %dma_wait3A_261 : memref<1x128xi32, #tpu.memory_space<vmem>> -> memref<128xi32, #tpu.memory_space<vmem>>
        %dma_wait3A_263 = arith.constant 0 : i32
        %dma_wait3A_264 = tpu.memref_slice %arg12[%dma_wait3A_263] : memref<8192xf32, #tpu.memory_space<vmem_shared>> -> memref<8192xf32, #tpu.memory_space<vmem_shared>>
        tpu.wait_indirect_dma semaphore(%run_scoped3A_256 : memref<!tpu.dma_semaphore, #tpu.memory_space<semaphore_mem>>) src(%arg10 : memref<128xf32, #tpu.memory_space<vmem>>) dst(%dma_wait3A_264 : memref<8192xf32, #tpu.memory_space<vmem_shared>>)
        tpu.yield
      }) : () -> ()
    } else {
    }
    %mul3A_111 = arith.constant 2048 : i32
    %mul3A_112 = arith.muli %arg1, %mul3A_111 : i32
    %add3A_113 = arith.constant 640 : i32
    %add3A_114 = arith.addi %mul3A_112, %add3A_113 : i32
    %mul3A_115 = arith.constant 128 : i32
    %mul3A_116 = arith.muli %arg0, %mul3A_115 : i32
    "tpu.region"() ({
      %run_scoped3A_255 = tpu.sem_alloc : memref<!tpu.dma_semaphore, #tpu.memory_space<semaphore_mem>>
      %dma_start3A = tpu.memref_slice %arg2[%add3A_114, %mul3A_116] : memref<32768x256xf32, #tpu.memory_space<hbm>> -> memref<128x128xf32, #tpu.memory_space<hbm>>
      %dma_start3A_256 = tpu.memref_slice %arg2[%add3A_114, %mul3A_116] : memref<32768x256xf32, #tpu.memory_space<hbm>> -> memref<128x128xf32, #tpu.memory_space<hbm>>
      tpu.enqueue_dma source(%dma_start3A_256 : memref<128x128xf32, #tpu.memory_space<hbm>>) target(%arg9 : memref<128x128xf32, #tpu.memory_space<vmem>>) target_semaphore(%run_scoped3A_255 : memref<!tpu.dma_semaphore, #tpu.memory_space<semaphore_mem>>)
      %dma_wait3A = tpu.memref_slice %arg2[%add3A_114, %mul3A_116] : memref<32768x256xf32, #tpu.memory_space<hbm>> -> memref<128x128xf32, #tpu.memory_space<hbm>>
      %dma_wait3A_257 = tpu.memref_slice %arg2[%add3A_114, %mul3A_116] : memref<32768x256xf32, #tpu.memory_space<hbm>> -> memref<128x128xf32, #tpu.memory_space<hbm>>
      tpu.wait_dma2 semaphore(%run_scoped3A_255 : memref<!tpu.dma_semaphore, #tpu.memory_space<semaphore_mem>>) src(%dma_wait3A_257 : memref<128x128xf32, #tpu.memory_space<hbm>>) dst(%arg9 : memref<128x128xf32, #tpu.memory_space<vmem>>)
      tpu.yield
    }) : () -> ()
    %run_scoped3A_117 = arith.constant 5 : i32
    "tpu.region"() ({
      %run_scoped3A_255 = tpu.sem_alloc : memref<!tpu.dma_semaphore, #tpu.memory_space<semaphore_mem>>
      %dma_start3A = arith.constant 0 : i32
      %dma_start3A_256 = tpu.memref_slice %arg8[%run_scoped3A_117, %dma_start3A] : memref<16x128xi32, #tpu.memory_space<vmem>> -> memref<1x128xi32, #tpu.memory_space<vmem>>
      %dma_start3A_257 = tpu.memref_squeeze %dma_start3A_256 : memref<1x128xi32, #tpu.memory_space<vmem>> -> memref<128xi32, #tpu.memory_space<vmem>>
      %dma_start3A_258 = arith.constant 0 : i32
      %dma_start3A_259 = arith.constant 0 : i32
      %dma_start3A_260 = tpu.memref_slice %arg11[%dma_start3A_258, %dma_start3A_259] : memref<8192x128xf32, #tpu.memory_space<vmem_shared>> -> memref<8192x128xf32, #tpu.memory_space<vmem_shared>>
      tpu.enqueue_indirect_dma source(%arg9 : memref<128x128xf32, #tpu.memory_space<vmem>>) target(%dma_start3A_260 : memref<8192x128xf32, #tpu.memory_space<vmem_shared>>) offsets(%dma_start3A_257 : memref<128xi32, #tpu.memory_space<vmem>>) semaphore(%run_scoped3A_255 : memref<!tpu.dma_semaphore, #tpu.memory_space<semaphore_mem>>) {add = true}
      %dma_wait3A = arith.constant 0 : i32
      %dma_wait3A_261 = tpu.memref_slice %arg8[%run_scoped3A_117, %dma_wait3A] : memref<16x128xi32, #tpu.memory_space<vmem>> -> memref<1x128xi32, #tpu.memory_space<vmem>>
      %dma_wait3A_262 = tpu.memref_squeeze %dma_wait3A_261 : memref<1x128xi32, #tpu.memory_space<vmem>> -> memref<128xi32, #tpu.memory_space<vmem>>
      %dma_wait3A_263 = arith.constant 0 : i32
      %dma_wait3A_264 = arith.constant 0 : i32
      %dma_wait3A_265 = tpu.memref_slice %arg11[%dma_wait3A_263, %dma_wait3A_264] : memref<8192x128xf32, #tpu.memory_space<vmem_shared>> -> memref<8192x128xf32, #tpu.memory_space<vmem_shared>>
      tpu.wait_indirect_dma semaphore(%run_scoped3A_255 : memref<!tpu.dma_semaphore, #tpu.memory_space<semaphore_mem>>) src(%arg9 : memref<128x128xf32, #tpu.memory_space<vmem>>) dst(%dma_wait3A_265 : memref<8192x128xf32, #tpu.memory_space<vmem_shared>>)
      tpu.yield
    }) : () -> ()
    %eq3A_118 = arith.constant 0 : i32
    %eq3A_119 = arith.cmpi eq, %arg0, %eq3A_118 : i32
    %convert_element_type3A_120 = arith.extui %eq3A_119 : i1 to i32
    %cond3A_121 = arith.constant 0 : i32
    %cond3A_122 = arith.cmpi ne, %convert_element_type3A_120, %cond3A_121 : i32
    scf.if %cond3A_122 {
      %run_scoped3A_255 = arith.constant 5 : i32
      "tpu.region"() ({
        %run_scoped3A_256 = tpu.sem_alloc : memref<!tpu.dma_semaphore, #tpu.memory_space<semaphore_mem>>
        %dma_start3A = arith.constant 0 : i32
        %dma_start3A_257 = tpu.memref_slice %arg8[%run_scoped3A_255, %dma_start3A] : memref<16x128xi32, #tpu.memory_space<vmem>> -> memref<1x128xi32, #tpu.memory_space<vmem>>
        %dma_start3A_258 = tpu.memref_squeeze %dma_start3A_257 : memref<1x128xi32, #tpu.memory_space<vmem>> -> memref<128xi32, #tpu.memory_space<vmem>>
        %dma_start3A_259 = arith.constant 0 : i32
        %dma_start3A_260 = tpu.memref_slice %arg12[%dma_start3A_259] : memref<8192xf32, #tpu.memory_space<vmem_shared>> -> memref<8192xf32, #tpu.memory_space<vmem_shared>>
        tpu.enqueue_indirect_dma source(%arg10 : memref<128xf32, #tpu.memory_space<vmem>>) target(%dma_start3A_260 : memref<8192xf32, #tpu.memory_space<vmem_shared>>) offsets(%dma_start3A_258 : memref<128xi32, #tpu.memory_space<vmem>>) semaphore(%run_scoped3A_256 : memref<!tpu.dma_semaphore, #tpu.memory_space<semaphore_mem>>) {add = true}
        %dma_wait3A = arith.constant 0 : i32
        %dma_wait3A_261 = tpu.memref_slice %arg8[%run_scoped3A_255, %dma_wait3A] : memref<16x128xi32, #tpu.memory_space<vmem>> -> memref<1x128xi32, #tpu.memory_space<vmem>>
        %dma_wait3A_262 = tpu.memref_squeeze %dma_wait3A_261 : memref<1x128xi32, #tpu.memory_space<vmem>> -> memref<128xi32, #tpu.memory_space<vmem>>
        %dma_wait3A_263 = arith.constant 0 : i32
        %dma_wait3A_264 = tpu.memref_slice %arg12[%dma_wait3A_263] : memref<8192xf32, #tpu.memory_space<vmem_shared>> -> memref<8192xf32, #tpu.memory_space<vmem_shared>>
        tpu.wait_indirect_dma semaphore(%run_scoped3A_256 : memref<!tpu.dma_semaphore, #tpu.memory_space<semaphore_mem>>) src(%arg10 : memref<128xf32, #tpu.memory_space<vmem>>) dst(%dma_wait3A_264 : memref<8192xf32, #tpu.memory_space<vmem_shared>>)
        tpu.yield
      }) : () -> ()
    } else {
    }
    %mul3A_123 = arith.constant 2048 : i32
    %mul3A_124 = arith.muli %arg1, %mul3A_123 : i32
    %add3A_125 = arith.constant 768 : i32
    %add3A_126 = arith.addi %mul3A_124, %add3A_125 : i32
    %mul3A_127 = arith.constant 128 : i32
    %mul3A_128 = arith.muli %arg0, %mul3A_127 : i32
    "tpu.region"() ({
      %run_scoped3A_255 = tpu.sem_alloc : memref<!tpu.dma_semaphore, #tpu.memory_space<semaphore_mem>>
      %dma_start3A = tpu.memref_slice %arg2[%add3A_126, %mul3A_128] : memref<32768x256xf32, #tpu.memory_space<hbm>> -> memref<128x128xf32, #tpu.memory_space<hbm>>
      %dma_start3A_256 = tpu.memref_slice %arg2[%add3A_126, %mul3A_128] : memref<32768x256xf32, #tpu.memory_space<hbm>> -> memref<128x128xf32, #tpu.memory_space<hbm>>
      tpu.enqueue_dma source(%dma_start3A_256 : memref<128x128xf32, #tpu.memory_space<hbm>>) target(%arg9 : memref<128x128xf32, #tpu.memory_space<vmem>>) target_semaphore(%run_scoped3A_255 : memref<!tpu.dma_semaphore, #tpu.memory_space<semaphore_mem>>)
      %dma_wait3A = tpu.memref_slice %arg2[%add3A_126, %mul3A_128] : memref<32768x256xf32, #tpu.memory_space<hbm>> -> memref<128x128xf32, #tpu.memory_space<hbm>>
      %dma_wait3A_257 = tpu.memref_slice %arg2[%add3A_126, %mul3A_128] : memref<32768x256xf32, #tpu.memory_space<hbm>> -> memref<128x128xf32, #tpu.memory_space<hbm>>
      tpu.wait_dma2 semaphore(%run_scoped3A_255 : memref<!tpu.dma_semaphore, #tpu.memory_space<semaphore_mem>>) src(%dma_wait3A_257 : memref<128x128xf32, #tpu.memory_space<hbm>>) dst(%arg9 : memref<128x128xf32, #tpu.memory_space<vmem>>)
      tpu.yield
    }) : () -> ()
    %run_scoped3A_129 = arith.constant 6 : i32
    "tpu.region"() ({
      %run_scoped3A_255 = tpu.sem_alloc : memref<!tpu.dma_semaphore, #tpu.memory_space<semaphore_mem>>
      %dma_start3A = arith.constant 0 : i32
      %dma_start3A_256 = tpu.memref_slice %arg8[%run_scoped3A_129, %dma_start3A] : memref<16x128xi32, #tpu.memory_space<vmem>> -> memref<1x128xi32, #tpu.memory_space<vmem>>
      %dma_start3A_257 = tpu.memref_squeeze %dma_start3A_256 : memref<1x128xi32, #tpu.memory_space<vmem>> -> memref<128xi32, #tpu.memory_space<vmem>>
      %dma_start3A_258 = arith.constant 0 : i32
      %dma_start3A_259 = arith.constant 0 : i32
      %dma_start3A_260 = tpu.memref_slice %arg11[%dma_start3A_258, %dma_start3A_259] : memref<8192x128xf32, #tpu.memory_space<vmem_shared>> -> memref<8192x128xf32, #tpu.memory_space<vmem_shared>>
      tpu.enqueue_indirect_dma source(%arg9 : memref<128x128xf32, #tpu.memory_space<vmem>>) target(%dma_start3A_260 : memref<8192x128xf32, #tpu.memory_space<vmem_shared>>) offsets(%dma_start3A_257 : memref<128xi32, #tpu.memory_space<vmem>>) semaphore(%run_scoped3A_255 : memref<!tpu.dma_semaphore, #tpu.memory_space<semaphore_mem>>) {add = true}
      %dma_wait3A = arith.constant 0 : i32
      %dma_wait3A_261 = tpu.memref_slice %arg8[%run_scoped3A_129, %dma_wait3A] : memref<16x128xi32, #tpu.memory_space<vmem>> -> memref<1x128xi32, #tpu.memory_space<vmem>>
      %dma_wait3A_262 = tpu.memref_squeeze %dma_wait3A_261 : memref<1x128xi32, #tpu.memory_space<vmem>> -> memref<128xi32, #tpu.memory_space<vmem>>
      %dma_wait3A_263 = arith.constant 0 : i32
      %dma_wait3A_264 = arith.constant 0 : i32
      %dma_wait3A_265 = tpu.memref_slice %arg11[%dma_wait3A_263, %dma_wait3A_264] : memref<8192x128xf32, #tpu.memory_space<vmem_shared>> -> memref<8192x128xf32, #tpu.memory_space<vmem_shared>>
      tpu.wait_indirect_dma semaphore(%run_scoped3A_255 : memref<!tpu.dma_semaphore, #tpu.memory_space<semaphore_mem>>) src(%arg9 : memref<128x128xf32, #tpu.memory_space<vmem>>) dst(%dma_wait3A_265 : memref<8192x128xf32, #tpu.memory_space<vmem_shared>>)
      tpu.yield
    }) : () -> ()
    %eq3A_130 = arith.constant 0 : i32
    %eq3A_131 = arith.cmpi eq, %arg0, %eq3A_130 : i32
    %convert_element_type3A_132 = arith.extui %eq3A_131 : i1 to i32
    %cond3A_133 = arith.constant 0 : i32
    %cond3A_134 = arith.cmpi ne, %convert_element_type3A_132, %cond3A_133 : i32
    scf.if %cond3A_134 {
      %run_scoped3A_255 = arith.constant 6 : i32
      "tpu.region"() ({
        %run_scoped3A_256 = tpu.sem_alloc : memref<!tpu.dma_semaphore, #tpu.memory_space<semaphore_mem>>
        %dma_start3A = arith.constant 0 : i32
        %dma_start3A_257 = tpu.memref_slice %arg8[%run_scoped3A_255, %dma_start3A] : memref<16x128xi32, #tpu.memory_space<vmem>> -> memref<1x128xi32, #tpu.memory_space<vmem>>
        %dma_start3A_258 = tpu.memref_squeeze %dma_start3A_257 : memref<1x128xi32, #tpu.memory_space<vmem>> -> memref<128xi32, #tpu.memory_space<vmem>>
        %dma_start3A_259 = arith.constant 0 : i32
        %dma_start3A_260 = tpu.memref_slice %arg12[%dma_start3A_259] : memref<8192xf32, #tpu.memory_space<vmem_shared>> -> memref<8192xf32, #tpu.memory_space<vmem_shared>>
        tpu.enqueue_indirect_dma source(%arg10 : memref<128xf32, #tpu.memory_space<vmem>>) target(%dma_start3A_260 : memref<8192xf32, #tpu.memory_space<vmem_shared>>) offsets(%dma_start3A_258 : memref<128xi32, #tpu.memory_space<vmem>>) semaphore(%run_scoped3A_256 : memref<!tpu.dma_semaphore, #tpu.memory_space<semaphore_mem>>) {add = true}
        %dma_wait3A = arith.constant 0 : i32
        %dma_wait3A_261 = tpu.memref_slice %arg8[%run_scoped3A_255, %dma_wait3A] : memref<16x128xi32, #tpu.memory_space<vmem>> -> memref<1x128xi32, #tpu.memory_space<vmem>>
        %dma_wait3A_262 = tpu.memref_squeeze %dma_wait3A_261 : memref<1x128xi32, #tpu.memory_space<vmem>> -> memref<128xi32, #tpu.memory_space<vmem>>
        %dma_wait3A_263 = arith.constant 0 : i32
        %dma_wait3A_264 = tpu.memref_slice %arg12[%dma_wait3A_263] : memref<8192xf32, #tpu.memory_space<vmem_shared>> -> memref<8192xf32, #tpu.memory_space<vmem_shared>>
        tpu.wait_indirect_dma semaphore(%run_scoped3A_256 : memref<!tpu.dma_semaphore, #tpu.memory_space<semaphore_mem>>) src(%arg10 : memref<128xf32, #tpu.memory_space<vmem>>) dst(%dma_wait3A_264 : memref<8192xf32, #tpu.memory_space<vmem_shared>>)
        tpu.yield
      }) : () -> ()
    } else {
    }
    %mul3A_135 = arith.constant 2048 : i32
    %mul3A_136 = arith.muli %arg1, %mul3A_135 : i32
    %add3A_137 = arith.constant 896 : i32
    %add3A_138 = arith.addi %mul3A_136, %add3A_137 : i32
    %mul3A_139 = arith.constant 128 : i32
    %mul3A_140 = arith.muli %arg0, %mul3A_139 : i32
    "tpu.region"() ({
      %run_scoped3A_255 = tpu.sem_alloc : memref<!tpu.dma_semaphore, #tpu.memory_space<semaphore_mem>>
      %dma_start3A = tpu.memref_slice %arg2[%add3A_138, %mul3A_140] : memref<32768x256xf32, #tpu.memory_space<hbm>> -> memref<128x128xf32, #tpu.memory_space<hbm>>
      %dma_start3A_256 = tpu.memref_slice %arg2[%add3A_138, %mul3A_140] : memref<32768x256xf32, #tpu.memory_space<hbm>> -> memref<128x128xf32, #tpu.memory_space<hbm>>
      tpu.enqueue_dma source(%dma_start3A_256 : memref<128x128xf32, #tpu.memory_space<hbm>>) target(%arg9 : memref<128x128xf32, #tpu.memory_space<vmem>>) target_semaphore(%run_scoped3A_255 : memref<!tpu.dma_semaphore, #tpu.memory_space<semaphore_mem>>)
      %dma_wait3A = tpu.memref_slice %arg2[%add3A_138, %mul3A_140] : memref<32768x256xf32, #tpu.memory_space<hbm>> -> memref<128x128xf32, #tpu.memory_space<hbm>>
      %dma_wait3A_257 = tpu.memref_slice %arg2[%add3A_138, %mul3A_140] : memref<32768x256xf32, #tpu.memory_space<hbm>> -> memref<128x128xf32, #tpu.memory_space<hbm>>
      tpu.wait_dma2 semaphore(%run_scoped3A_255 : memref<!tpu.dma_semaphore, #tpu.memory_space<semaphore_mem>>) src(%dma_wait3A_257 : memref<128x128xf32, #tpu.memory_space<hbm>>) dst(%arg9 : memref<128x128xf32, #tpu.memory_space<vmem>>)
      tpu.yield
    }) : () -> ()
    %run_scoped3A_141 = arith.constant 7 : i32
    "tpu.region"() ({
      %run_scoped3A_255 = tpu.sem_alloc : memref<!tpu.dma_semaphore, #tpu.memory_space<semaphore_mem>>
      %dma_start3A = arith.constant 0 : i32
      %dma_start3A_256 = tpu.memref_slice %arg8[%run_scoped3A_141, %dma_start3A] : memref<16x128xi32, #tpu.memory_space<vmem>> -> memref<1x128xi32, #tpu.memory_space<vmem>>
      %dma_start3A_257 = tpu.memref_squeeze %dma_start3A_256 : memref<1x128xi32, #tpu.memory_space<vmem>> -> memref<128xi32, #tpu.memory_space<vmem>>
      %dma_start3A_258 = arith.constant 0 : i32
      %dma_start3A_259 = arith.constant 0 : i32
      %dma_start3A_260 = tpu.memref_slice %arg11[%dma_start3A_258, %dma_start3A_259] : memref<8192x128xf32, #tpu.memory_space<vmem_shared>> -> memref<8192x128xf32, #tpu.memory_space<vmem_shared>>
      tpu.enqueue_indirect_dma source(%arg9 : memref<128x128xf32, #tpu.memory_space<vmem>>) target(%dma_start3A_260 : memref<8192x128xf32, #tpu.memory_space<vmem_shared>>) offsets(%dma_start3A_257 : memref<128xi32, #tpu.memory_space<vmem>>) semaphore(%run_scoped3A_255 : memref<!tpu.dma_semaphore, #tpu.memory_space<semaphore_mem>>) {add = true}
      %dma_wait3A = arith.constant 0 : i32
      %dma_wait3A_261 = tpu.memref_slice %arg8[%run_scoped3A_141, %dma_wait3A] : memref<16x128xi32, #tpu.memory_space<vmem>> -> memref<1x128xi32, #tpu.memory_space<vmem>>
      %dma_wait3A_262 = tpu.memref_squeeze %dma_wait3A_261 : memref<1x128xi32, #tpu.memory_space<vmem>> -> memref<128xi32, #tpu.memory_space<vmem>>
      %dma_wait3A_263 = arith.constant 0 : i32
      %dma_wait3A_264 = arith.constant 0 : i32
      %dma_wait3A_265 = tpu.memref_slice %arg11[%dma_wait3A_263, %dma_wait3A_264] : memref<8192x128xf32, #tpu.memory_space<vmem_shared>> -> memref<8192x128xf32, #tpu.memory_space<vmem_shared>>
      tpu.wait_indirect_dma semaphore(%run_scoped3A_255 : memref<!tpu.dma_semaphore, #tpu.memory_space<semaphore_mem>>) src(%arg9 : memref<128x128xf32, #tpu.memory_space<vmem>>) dst(%dma_wait3A_265 : memref<8192x128xf32, #tpu.memory_space<vmem_shared>>)
      tpu.yield
    }) : () -> ()
    %eq3A_142 = arith.constant 0 : i32
    %eq3A_143 = arith.cmpi eq, %arg0, %eq3A_142 : i32
    %convert_element_type3A_144 = arith.extui %eq3A_143 : i1 to i32
    %cond3A_145 = arith.constant 0 : i32
    %cond3A_146 = arith.cmpi ne, %convert_element_type3A_144, %cond3A_145 : i32
    scf.if %cond3A_146 {
      %run_scoped3A_255 = arith.constant 7 : i32
      "tpu.region"() ({
        %run_scoped3A_256 = tpu.sem_alloc : memref<!tpu.dma_semaphore, #tpu.memory_space<semaphore_mem>>
        %dma_start3A = arith.constant 0 : i32
        %dma_start3A_257 = tpu.memref_slice %arg8[%run_scoped3A_255, %dma_start3A] : memref<16x128xi32, #tpu.memory_space<vmem>> -> memref<1x128xi32, #tpu.memory_space<vmem>>
        %dma_start3A_258 = tpu.memref_squeeze %dma_start3A_257 : memref<1x128xi32, #tpu.memory_space<vmem>> -> memref<128xi32, #tpu.memory_space<vmem>>
        %dma_start3A_259 = arith.constant 0 : i32
        %dma_start3A_260 = tpu.memref_slice %arg12[%dma_start3A_259] : memref<8192xf32, #tpu.memory_space<vmem_shared>> -> memref<8192xf32, #tpu.memory_space<vmem_shared>>
        tpu.enqueue_indirect_dma source(%arg10 : memref<128xf32, #tpu.memory_space<vmem>>) target(%dma_start3A_260 : memref<8192xf32, #tpu.memory_space<vmem_shared>>) offsets(%dma_start3A_258 : memref<128xi32, #tpu.memory_space<vmem>>) semaphore(%run_scoped3A_256 : memref<!tpu.dma_semaphore, #tpu.memory_space<semaphore_mem>>) {add = true}
        %dma_wait3A = arith.constant 0 : i32
        %dma_wait3A_261 = tpu.memref_slice %arg8[%run_scoped3A_255, %dma_wait3A] : memref<16x128xi32, #tpu.memory_space<vmem>> -> memref<1x128xi32, #tpu.memory_space<vmem>>
        %dma_wait3A_262 = tpu.memref_squeeze %dma_wait3A_261 : memref<1x128xi32, #tpu.memory_space<vmem>> -> memref<128xi32, #tpu.memory_space<vmem>>
        %dma_wait3A_263 = arith.constant 0 : i32
        %dma_wait3A_264 = tpu.memref_slice %arg12[%dma_wait3A_263] : memref<8192xf32, #tpu.memory_space<vmem_shared>> -> memref<8192xf32, #tpu.memory_space<vmem_shared>>
        tpu.wait_indirect_dma semaphore(%run_scoped3A_256 : memref<!tpu.dma_semaphore, #tpu.memory_space<semaphore_mem>>) src(%arg10 : memref<128xf32, #tpu.memory_space<vmem>>) dst(%dma_wait3A_264 : memref<8192xf32, #tpu.memory_space<vmem_shared>>)
        tpu.yield
      }) : () -> ()
    } else {
    }
    %mul3A_147 = arith.constant 2048 : i32
    %mul3A_148 = arith.muli %arg1, %mul3A_147 : i32
    %add3A_149 = arith.constant 1024 : i32
    %add3A_150 = arith.addi %mul3A_148, %add3A_149 : i32
    %mul3A_151 = arith.constant 128 : i32
    %mul3A_152 = arith.muli %arg0, %mul3A_151 : i32
    "tpu.region"() ({
      %run_scoped3A_255 = tpu.sem_alloc : memref<!tpu.dma_semaphore, #tpu.memory_space<semaphore_mem>>
      %dma_start3A = tpu.memref_slice %arg2[%add3A_150, %mul3A_152] : memref<32768x256xf32, #tpu.memory_space<hbm>> -> memref<128x128xf32, #tpu.memory_space<hbm>>
      %dma_start3A_256 = tpu.memref_slice %arg2[%add3A_150, %mul3A_152] : memref<32768x256xf32, #tpu.memory_space<hbm>> -> memref<128x128xf32, #tpu.memory_space<hbm>>
      tpu.enqueue_dma source(%dma_start3A_256 : memref<128x128xf32, #tpu.memory_space<hbm>>) target(%arg9 : memref<128x128xf32, #tpu.memory_space<vmem>>) target_semaphore(%run_scoped3A_255 : memref<!tpu.dma_semaphore, #tpu.memory_space<semaphore_mem>>)
      %dma_wait3A = tpu.memref_slice %arg2[%add3A_150, %mul3A_152] : memref<32768x256xf32, #tpu.memory_space<hbm>> -> memref<128x128xf32, #tpu.memory_space<hbm>>
      %dma_wait3A_257 = tpu.memref_slice %arg2[%add3A_150, %mul3A_152] : memref<32768x256xf32, #tpu.memory_space<hbm>> -> memref<128x128xf32, #tpu.memory_space<hbm>>
      tpu.wait_dma2 semaphore(%run_scoped3A_255 : memref<!tpu.dma_semaphore, #tpu.memory_space<semaphore_mem>>) src(%dma_wait3A_257 : memref<128x128xf32, #tpu.memory_space<hbm>>) dst(%arg9 : memref<128x128xf32, #tpu.memory_space<vmem>>)
      tpu.yield
    }) : () -> ()
    %run_scoped3A_153 = arith.constant 8 : i32
    "tpu.region"() ({
      %run_scoped3A_255 = tpu.sem_alloc : memref<!tpu.dma_semaphore, #tpu.memory_space<semaphore_mem>>
      %dma_start3A = arith.constant 0 : i32
      %dma_start3A_256 = tpu.memref_slice %arg8[%run_scoped3A_153, %dma_start3A] : memref<16x128xi32, #tpu.memory_space<vmem>> -> memref<1x128xi32, #tpu.memory_space<vmem>>
      %dma_start3A_257 = tpu.memref_squeeze %dma_start3A_256 : memref<1x128xi32, #tpu.memory_space<vmem>> -> memref<128xi32, #tpu.memory_space<vmem>>
      %dma_start3A_258 = arith.constant 0 : i32
      %dma_start3A_259 = arith.constant 0 : i32
      %dma_start3A_260 = tpu.memref_slice %arg11[%dma_start3A_258, %dma_start3A_259] : memref<8192x128xf32, #tpu.memory_space<vmem_shared>> -> memref<8192x128xf32, #tpu.memory_space<vmem_shared>>
      tpu.enqueue_indirect_dma source(%arg9 : memref<128x128xf32, #tpu.memory_space<vmem>>) target(%dma_start3A_260 : memref<8192x128xf32, #tpu.memory_space<vmem_shared>>) offsets(%dma_start3A_257 : memref<128xi32, #tpu.memory_space<vmem>>) semaphore(%run_scoped3A_255 : memref<!tpu.dma_semaphore, #tpu.memory_space<semaphore_mem>>) {add = true}
      %dma_wait3A = arith.constant 0 : i32
      %dma_wait3A_261 = tpu.memref_slice %arg8[%run_scoped3A_153, %dma_wait3A] : memref<16x128xi32, #tpu.memory_space<vmem>> -> memref<1x128xi32, #tpu.memory_space<vmem>>
      %dma_wait3A_262 = tpu.memref_squeeze %dma_wait3A_261 : memref<1x128xi32, #tpu.memory_space<vmem>> -> memref<128xi32, #tpu.memory_space<vmem>>
      %dma_wait3A_263 = arith.constant 0 : i32
      %dma_wait3A_264 = arith.constant 0 : i32
      %dma_wait3A_265 = tpu.memref_slice %arg11[%dma_wait3A_263, %dma_wait3A_264] : memref<8192x128xf32, #tpu.memory_space<vmem_shared>> -> memref<8192x128xf32, #tpu.memory_space<vmem_shared>>
      tpu.wait_indirect_dma semaphore(%run_scoped3A_255 : memref<!tpu.dma_semaphore, #tpu.memory_space<semaphore_mem>>) src(%arg9 : memref<128x128xf32, #tpu.memory_space<vmem>>) dst(%dma_wait3A_265 : memref<8192x128xf32, #tpu.memory_space<vmem_shared>>)
      tpu.yield
    }) : () -> ()
    %eq3A_154 = arith.constant 0 : i32
    %eq3A_155 = arith.cmpi eq, %arg0, %eq3A_154 : i32
    %convert_element_type3A_156 = arith.extui %eq3A_155 : i1 to i32
    %cond3A_157 = arith.constant 0 : i32
    %cond3A_158 = arith.cmpi ne, %convert_element_type3A_156, %cond3A_157 : i32
    scf.if %cond3A_158 {
      %run_scoped3A_255 = arith.constant 8 : i32
      "tpu.region"() ({
        %run_scoped3A_256 = tpu.sem_alloc : memref<!tpu.dma_semaphore, #tpu.memory_space<semaphore_mem>>
        %dma_start3A = arith.constant 0 : i32
        %dma_start3A_257 = tpu.memref_slice %arg8[%run_scoped3A_255, %dma_start3A] : memref<16x128xi32, #tpu.memory_space<vmem>> -> memref<1x128xi32, #tpu.memory_space<vmem>>
        %dma_start3A_258 = tpu.memref_squeeze %dma_start3A_257 : memref<1x128xi32, #tpu.memory_space<vmem>> -> memref<128xi32, #tpu.memory_space<vmem>>
        %dma_start3A_259 = arith.constant 0 : i32
        %dma_start3A_260 = tpu.memref_slice %arg12[%dma_start3A_259] : memref<8192xf32, #tpu.memory_space<vmem_shared>> -> memref<8192xf32, #tpu.memory_space<vmem_shared>>
        tpu.enqueue_indirect_dma source(%arg10 : memref<128xf32, #tpu.memory_space<vmem>>) target(%dma_start3A_260 : memref<8192xf32, #tpu.memory_space<vmem_shared>>) offsets(%dma_start3A_258 : memref<128xi32, #tpu.memory_space<vmem>>) semaphore(%run_scoped3A_256 : memref<!tpu.dma_semaphore, #tpu.memory_space<semaphore_mem>>) {add = true}
        %dma_wait3A = arith.constant 0 : i32
        %dma_wait3A_261 = tpu.memref_slice %arg8[%run_scoped3A_255, %dma_wait3A] : memref<16x128xi32, #tpu.memory_space<vmem>> -> memref<1x128xi32, #tpu.memory_space<vmem>>
        %dma_wait3A_262 = tpu.memref_squeeze %dma_wait3A_261 : memref<1x128xi32, #tpu.memory_space<vmem>> -> memref<128xi32, #tpu.memory_space<vmem>>
        %dma_wait3A_263 = arith.constant 0 : i32
        %dma_wait3A_264 = tpu.memref_slice %arg12[%dma_wait3A_263] : memref<8192xf32, #tpu.memory_space<vmem_shared>> -> memref<8192xf32, #tpu.memory_space<vmem_shared>>
        tpu.wait_indirect_dma semaphore(%run_scoped3A_256 : memref<!tpu.dma_semaphore, #tpu.memory_space<semaphore_mem>>) src(%arg10 : memref<128xf32, #tpu.memory_space<vmem>>) dst(%dma_wait3A_264 : memref<8192xf32, #tpu.memory_space<vmem_shared>>)
        tpu.yield
      }) : () -> ()
    } else {
    }
    %mul3A_159 = arith.constant 2048 : i32
    %mul3A_160 = arith.muli %arg1, %mul3A_159 : i32
    %add3A_161 = arith.constant 1152 : i32
    %add3A_162 = arith.addi %mul3A_160, %add3A_161 : i32
    %mul3A_163 = arith.constant 128 : i32
    %mul3A_164 = arith.muli %arg0, %mul3A_163 : i32
    "tpu.region"() ({
      %run_scoped3A_255 = tpu.sem_alloc : memref<!tpu.dma_semaphore, #tpu.memory_space<semaphore_mem>>
      %dma_start3A = tpu.memref_slice %arg2[%add3A_162, %mul3A_164] : memref<32768x256xf32, #tpu.memory_space<hbm>> -> memref<128x128xf32, #tpu.memory_space<hbm>>
      %dma_start3A_256 = tpu.memref_slice %arg2[%add3A_162, %mul3A_164] : memref<32768x256xf32, #tpu.memory_space<hbm>> -> memref<128x128xf32, #tpu.memory_space<hbm>>
      tpu.enqueue_dma source(%dma_start3A_256 : memref<128x128xf32, #tpu.memory_space<hbm>>) target(%arg9 : memref<128x128xf32, #tpu.memory_space<vmem>>) target_semaphore(%run_scoped3A_255 : memref<!tpu.dma_semaphore, #tpu.memory_space<semaphore_mem>>)
      %dma_wait3A = tpu.memref_slice %arg2[%add3A_162, %mul3A_164] : memref<32768x256xf32, #tpu.memory_space<hbm>> -> memref<128x128xf32, #tpu.memory_space<hbm>>
      %dma_wait3A_257 = tpu.memref_slice %arg2[%add3A_162, %mul3A_164] : memref<32768x256xf32, #tpu.memory_space<hbm>> -> memref<128x128xf32, #tpu.memory_space<hbm>>
      tpu.wait_dma2 semaphore(%run_scoped3A_255 : memref<!tpu.dma_semaphore, #tpu.memory_space<semaphore_mem>>) src(%dma_wait3A_257 : memref<128x128xf32, #tpu.memory_space<hbm>>) dst(%arg9 : memref<128x128xf32, #tpu.memory_space<vmem>>)
      tpu.yield
    }) : () -> ()
    %run_scoped3A_165 = arith.constant 9 : i32
    "tpu.region"() ({
      %run_scoped3A_255 = tpu.sem_alloc : memref<!tpu.dma_semaphore, #tpu.memory_space<semaphore_mem>>
      %dma_start3A = arith.constant 0 : i32
      %dma_start3A_256 = tpu.memref_slice %arg8[%run_scoped3A_165, %dma_start3A] : memref<16x128xi32, #tpu.memory_space<vmem>> -> memref<1x128xi32, #tpu.memory_space<vmem>>
      %dma_start3A_257 = tpu.memref_squeeze %dma_start3A_256 : memref<1x128xi32, #tpu.memory_space<vmem>> -> memref<128xi32, #tpu.memory_space<vmem>>
      %dma_start3A_258 = arith.constant 0 : i32
      %dma_start3A_259 = arith.constant 0 : i32
      %dma_start3A_260 = tpu.memref_slice %arg11[%dma_start3A_258, %dma_start3A_259] : memref<8192x128xf32, #tpu.memory_space<vmem_shared>> -> memref<8192x128xf32, #tpu.memory_space<vmem_shared>>
      tpu.enqueue_indirect_dma source(%arg9 : memref<128x128xf32, #tpu.memory_space<vmem>>) target(%dma_start3A_260 : memref<8192x128xf32, #tpu.memory_space<vmem_shared>>) offsets(%dma_start3A_257 : memref<128xi32, #tpu.memory_space<vmem>>) semaphore(%run_scoped3A_255 : memref<!tpu.dma_semaphore, #tpu.memory_space<semaphore_mem>>) {add = true}
      %dma_wait3A = arith.constant 0 : i32
      %dma_wait3A_261 = tpu.memref_slice %arg8[%run_scoped3A_165, %dma_wait3A] : memref<16x128xi32, #tpu.memory_space<vmem>> -> memref<1x128xi32, #tpu.memory_space<vmem>>
      %dma_wait3A_262 = tpu.memref_squeeze %dma_wait3A_261 : memref<1x128xi32, #tpu.memory_space<vmem>> -> memref<128xi32, #tpu.memory_space<vmem>>
      %dma_wait3A_263 = arith.constant 0 : i32
      %dma_wait3A_264 = arith.constant 0 : i32
      %dma_wait3A_265 = tpu.memref_slice %arg11[%dma_wait3A_263, %dma_wait3A_264] : memref<8192x128xf32, #tpu.memory_space<vmem_shared>> -> memref<8192x128xf32, #tpu.memory_space<vmem_shared>>
      tpu.wait_indirect_dma semaphore(%run_scoped3A_255 : memref<!tpu.dma_semaphore, #tpu.memory_space<semaphore_mem>>) src(%arg9 : memref<128x128xf32, #tpu.memory_space<vmem>>) dst(%dma_wait3A_265 : memref<8192x128xf32, #tpu.memory_space<vmem_shared>>)
      tpu.yield
    }) : () -> ()
    %eq3A_166 = arith.constant 0 : i32
    %eq3A_167 = arith.cmpi eq, %arg0, %eq3A_166 : i32
    %convert_element_type3A_168 = arith.extui %eq3A_167 : i1 to i32
    %cond3A_169 = arith.constant 0 : i32
    %cond3A_170 = arith.cmpi ne, %convert_element_type3A_168, %cond3A_169 : i32
    scf.if %cond3A_170 {
      %run_scoped3A_255 = arith.constant 9 : i32
      "tpu.region"() ({
        %run_scoped3A_256 = tpu.sem_alloc : memref<!tpu.dma_semaphore, #tpu.memory_space<semaphore_mem>>
        %dma_start3A = arith.constant 0 : i32
        %dma_start3A_257 = tpu.memref_slice %arg8[%run_scoped3A_255, %dma_start3A] : memref<16x128xi32, #tpu.memory_space<vmem>> -> memref<1x128xi32, #tpu.memory_space<vmem>>
        %dma_start3A_258 = tpu.memref_squeeze %dma_start3A_257 : memref<1x128xi32, #tpu.memory_space<vmem>> -> memref<128xi32, #tpu.memory_space<vmem>>
        %dma_start3A_259 = arith.constant 0 : i32
        %dma_start3A_260 = tpu.memref_slice %arg12[%dma_start3A_259] : memref<8192xf32, #tpu.memory_space<vmem_shared>> -> memref<8192xf32, #tpu.memory_space<vmem_shared>>
        tpu.enqueue_indirect_dma source(%arg10 : memref<128xf32, #tpu.memory_space<vmem>>) target(%dma_start3A_260 : memref<8192xf32, #tpu.memory_space<vmem_shared>>) offsets(%dma_start3A_258 : memref<128xi32, #tpu.memory_space<vmem>>) semaphore(%run_scoped3A_256 : memref<!tpu.dma_semaphore, #tpu.memory_space<semaphore_mem>>) {add = true}
        %dma_wait3A = arith.constant 0 : i32
        %dma_wait3A_261 = tpu.memref_slice %arg8[%run_scoped3A_255, %dma_wait3A] : memref<16x128xi32, #tpu.memory_space<vmem>> -> memref<1x128xi32, #tpu.memory_space<vmem>>
        %dma_wait3A_262 = tpu.memref_squeeze %dma_wait3A_261 : memref<1x128xi32, #tpu.memory_space<vmem>> -> memref<128xi32, #tpu.memory_space<vmem>>
        %dma_wait3A_263 = arith.constant 0 : i32
        %dma_wait3A_264 = tpu.memref_slice %arg12[%dma_wait3A_263] : memref<8192xf32, #tpu.memory_space<vmem_shared>> -> memref<8192xf32, #tpu.memory_space<vmem_shared>>
        tpu.wait_indirect_dma semaphore(%run_scoped3A_256 : memref<!tpu.dma_semaphore, #tpu.memory_space<semaphore_mem>>) src(%arg10 : memref<128xf32, #tpu.memory_space<vmem>>) dst(%dma_wait3A_264 : memref<8192xf32, #tpu.memory_space<vmem_shared>>)
        tpu.yield
      }) : () -> ()
    } else {
    }
    %mul3A_171 = arith.constant 2048 : i32
    %mul3A_172 = arith.muli %arg1, %mul3A_171 : i32
    %add3A_173 = arith.constant 1280 : i32
    %add3A_174 = arith.addi %mul3A_172, %add3A_173 : i32
    %mul3A_175 = arith.constant 128 : i32
    %mul3A_176 = arith.muli %arg0, %mul3A_175 : i32
    "tpu.region"() ({
      %run_scoped3A_255 = tpu.sem_alloc : memref<!tpu.dma_semaphore, #tpu.memory_space<semaphore_mem>>
      %dma_start3A = tpu.memref_slice %arg2[%add3A_174, %mul3A_176] : memref<32768x256xf32, #tpu.memory_space<hbm>> -> memref<128x128xf32, #tpu.memory_space<hbm>>
      %dma_start3A_256 = tpu.memref_slice %arg2[%add3A_174, %mul3A_176] : memref<32768x256xf32, #tpu.memory_space<hbm>> -> memref<128x128xf32, #tpu.memory_space<hbm>>
      tpu.enqueue_dma source(%dma_start3A_256 : memref<128x128xf32, #tpu.memory_space<hbm>>) target(%arg9 : memref<128x128xf32, #tpu.memory_space<vmem>>) target_semaphore(%run_scoped3A_255 : memref<!tpu.dma_semaphore, #tpu.memory_space<semaphore_mem>>)
      %dma_wait3A = tpu.memref_slice %arg2[%add3A_174, %mul3A_176] : memref<32768x256xf32, #tpu.memory_space<hbm>> -> memref<128x128xf32, #tpu.memory_space<hbm>>
      %dma_wait3A_257 = tpu.memref_slice %arg2[%add3A_174, %mul3A_176] : memref<32768x256xf32, #tpu.memory_space<hbm>> -> memref<128x128xf32, #tpu.memory_space<hbm>>
      tpu.wait_dma2 semaphore(%run_scoped3A_255 : memref<!tpu.dma_semaphore, #tpu.memory_space<semaphore_mem>>) src(%dma_wait3A_257 : memref<128x128xf32, #tpu.memory_space<hbm>>) dst(%arg9 : memref<128x128xf32, #tpu.memory_space<vmem>>)
      tpu.yield
    }) : () -> ()
    %run_scoped3A_177 = arith.constant 10 : i32
    "tpu.region"() ({
      %run_scoped3A_255 = tpu.sem_alloc : memref<!tpu.dma_semaphore, #tpu.memory_space<semaphore_mem>>
      %dma_start3A = arith.constant 0 : i32
      %dma_start3A_256 = tpu.memref_slice %arg8[%run_scoped3A_177, %dma_start3A] : memref<16x128xi32, #tpu.memory_space<vmem>> -> memref<1x128xi32, #tpu.memory_space<vmem>>
      %dma_start3A_257 = tpu.memref_squeeze %dma_start3A_256 : memref<1x128xi32, #tpu.memory_space<vmem>> -> memref<128xi32, #tpu.memory_space<vmem>>
      %dma_start3A_258 = arith.constant 0 : i32
      %dma_start3A_259 = arith.constant 0 : i32
      %dma_start3A_260 = tpu.memref_slice %arg11[%dma_start3A_258, %dma_start3A_259] : memref<8192x128xf32, #tpu.memory_space<vmem_shared>> -> memref<8192x128xf32, #tpu.memory_space<vmem_shared>>
      tpu.enqueue_indirect_dma source(%arg9 : memref<128x128xf32, #tpu.memory_space<vmem>>) target(%dma_start3A_260 : memref<8192x128xf32, #tpu.memory_space<vmem_shared>>) offsets(%dma_start3A_257 : memref<128xi32, #tpu.memory_space<vmem>>) semaphore(%run_scoped3A_255 : memref<!tpu.dma_semaphore, #tpu.memory_space<semaphore_mem>>) {add = true}
      %dma_wait3A = arith.constant 0 : i32
      %dma_wait3A_261 = tpu.memref_slice %arg8[%run_scoped3A_177, %dma_wait3A] : memref<16x128xi32, #tpu.memory_space<vmem>> -> memref<1x128xi32, #tpu.memory_space<vmem>>
      %dma_wait3A_262 = tpu.memref_squeeze %dma_wait3A_261 : memref<1x128xi32, #tpu.memory_space<vmem>> -> memref<128xi32, #tpu.memory_space<vmem>>
      %dma_wait3A_263 = arith.constant 0 : i32
      %dma_wait3A_264 = arith.constant 0 : i32
      %dma_wait3A_265 = tpu.memref_slice %arg11[%dma_wait3A_263, %dma_wait3A_264] : memref<8192x128xf32, #tpu.memory_space<vmem_shared>> -> memref<8192x128xf32, #tpu.memory_space<vmem_shared>>
      tpu.wait_indirect_dma semaphore(%run_scoped3A_255 : memref<!tpu.dma_semaphore, #tpu.memory_space<semaphore_mem>>) src(%arg9 : memref<128x128xf32, #tpu.memory_space<vmem>>) dst(%dma_wait3A_265 : memref<8192x128xf32, #tpu.memory_space<vmem_shared>>)
      tpu.yield
    }) : () -> ()
    %eq3A_178 = arith.constant 0 : i32
    %eq3A_179 = arith.cmpi eq, %arg0, %eq3A_178 : i32
    %convert_element_type3A_180 = arith.extui %eq3A_179 : i1 to i32
    %cond3A_181 = arith.constant 0 : i32
    %cond3A_182 = arith.cmpi ne, %convert_element_type3A_180, %cond3A_181 : i32
    scf.if %cond3A_182 {
      %run_scoped3A_255 = arith.constant 10 : i32
      "tpu.region"() ({
        %run_scoped3A_256 = tpu.sem_alloc : memref<!tpu.dma_semaphore, #tpu.memory_space<semaphore_mem>>
        %dma_start3A = arith.constant 0 : i32
        %dma_start3A_257 = tpu.memref_slice %arg8[%run_scoped3A_255, %dma_start3A] : memref<16x128xi32, #tpu.memory_space<vmem>> -> memref<1x128xi32, #tpu.memory_space<vmem>>
        %dma_start3A_258 = tpu.memref_squeeze %dma_start3A_257 : memref<1x128xi32, #tpu.memory_space<vmem>> -> memref<128xi32, #tpu.memory_space<vmem>>
        %dma_start3A_259 = arith.constant 0 : i32
        %dma_start3A_260 = tpu.memref_slice %arg12[%dma_start3A_259] : memref<8192xf32, #tpu.memory_space<vmem_shared>> -> memref<8192xf32, #tpu.memory_space<vmem_shared>>
        tpu.enqueue_indirect_dma source(%arg10 : memref<128xf32, #tpu.memory_space<vmem>>) target(%dma_start3A_260 : memref<8192xf32, #tpu.memory_space<vmem_shared>>) offsets(%dma_start3A_258 : memref<128xi32, #tpu.memory_space<vmem>>) semaphore(%run_scoped3A_256 : memref<!tpu.dma_semaphore, #tpu.memory_space<semaphore_mem>>) {add = true}
        %dma_wait3A = arith.constant 0 : i32
        %dma_wait3A_261 = tpu.memref_slice %arg8[%run_scoped3A_255, %dma_wait3A] : memref<16x128xi32, #tpu.memory_space<vmem>> -> memref<1x128xi32, #tpu.memory_space<vmem>>
        %dma_wait3A_262 = tpu.memref_squeeze %dma_wait3A_261 : memref<1x128xi32, #tpu.memory_space<vmem>> -> memref<128xi32, #tpu.memory_space<vmem>>
        %dma_wait3A_263 = arith.constant 0 : i32
        %dma_wait3A_264 = tpu.memref_slice %arg12[%dma_wait3A_263] : memref<8192xf32, #tpu.memory_space<vmem_shared>> -> memref<8192xf32, #tpu.memory_space<vmem_shared>>
        tpu.wait_indirect_dma semaphore(%run_scoped3A_256 : memref<!tpu.dma_semaphore, #tpu.memory_space<semaphore_mem>>) src(%arg10 : memref<128xf32, #tpu.memory_space<vmem>>) dst(%dma_wait3A_264 : memref<8192xf32, #tpu.memory_space<vmem_shared>>)
        tpu.yield
      }) : () -> ()
    } else {
    }
    %mul3A_183 = arith.constant 2048 : i32
    %mul3A_184 = arith.muli %arg1, %mul3A_183 : i32
    %add3A_185 = arith.constant 1408 : i32
    %add3A_186 = arith.addi %mul3A_184, %add3A_185 : i32
    %mul3A_187 = arith.constant 128 : i32
    %mul3A_188 = arith.muli %arg0, %mul3A_187 : i32
    "tpu.region"() ({
      %run_scoped3A_255 = tpu.sem_alloc : memref<!tpu.dma_semaphore, #tpu.memory_space<semaphore_mem>>
      %dma_start3A = tpu.memref_slice %arg2[%add3A_186, %mul3A_188] : memref<32768x256xf32, #tpu.memory_space<hbm>> -> memref<128x128xf32, #tpu.memory_space<hbm>>
      %dma_start3A_256 = tpu.memref_slice %arg2[%add3A_186, %mul3A_188] : memref<32768x256xf32, #tpu.memory_space<hbm>> -> memref<128x128xf32, #tpu.memory_space<hbm>>
      tpu.enqueue_dma source(%dma_start3A_256 : memref<128x128xf32, #tpu.memory_space<hbm>>) target(%arg9 : memref<128x128xf32, #tpu.memory_space<vmem>>) target_semaphore(%run_scoped3A_255 : memref<!tpu.dma_semaphore, #tpu.memory_space<semaphore_mem>>)
      %dma_wait3A = tpu.memref_slice %arg2[%add3A_186, %mul3A_188] : memref<32768x256xf32, #tpu.memory_space<hbm>> -> memref<128x128xf32, #tpu.memory_space<hbm>>
      %dma_wait3A_257 = tpu.memref_slice %arg2[%add3A_186, %mul3A_188] : memref<32768x256xf32, #tpu.memory_space<hbm>> -> memref<128x128xf32, #tpu.memory_space<hbm>>
      tpu.wait_dma2 semaphore(%run_scoped3A_255 : memref<!tpu.dma_semaphore, #tpu.memory_space<semaphore_mem>>) src(%dma_wait3A_257 : memref<128x128xf32, #tpu.memory_space<hbm>>) dst(%arg9 : memref<128x128xf32, #tpu.memory_space<vmem>>)
      tpu.yield
    }) : () -> ()
    %run_scoped3A_189 = arith.constant 11 : i32
    "tpu.region"() ({
      %run_scoped3A_255 = tpu.sem_alloc : memref<!tpu.dma_semaphore, #tpu.memory_space<semaphore_mem>>
      %dma_start3A = arith.constant 0 : i32
      %dma_start3A_256 = tpu.memref_slice %arg8[%run_scoped3A_189, %dma_start3A] : memref<16x128xi32, #tpu.memory_space<vmem>> -> memref<1x128xi32, #tpu.memory_space<vmem>>
      %dma_start3A_257 = tpu.memref_squeeze %dma_start3A_256 : memref<1x128xi32, #tpu.memory_space<vmem>> -> memref<128xi32, #tpu.memory_space<vmem>>
      %dma_start3A_258 = arith.constant 0 : i32
      %dma_start3A_259 = arith.constant 0 : i32
      %dma_start3A_260 = tpu.memref_slice %arg11[%dma_start3A_258, %dma_start3A_259] : memref<8192x128xf32, #tpu.memory_space<vmem_shared>> -> memref<8192x128xf32, #tpu.memory_space<vmem_shared>>
      tpu.enqueue_indirect_dma source(%arg9 : memref<128x128xf32, #tpu.memory_space<vmem>>) target(%dma_start3A_260 : memref<8192x128xf32, #tpu.memory_space<vmem_shared>>) offsets(%dma_start3A_257 : memref<128xi32, #tpu.memory_space<vmem>>) semaphore(%run_scoped3A_255 : memref<!tpu.dma_semaphore, #tpu.memory_space<semaphore_mem>>) {add = true}
      %dma_wait3A = arith.constant 0 : i32
      %dma_wait3A_261 = tpu.memref_slice %arg8[%run_scoped3A_189, %dma_wait3A] : memref<16x128xi32, #tpu.memory_space<vmem>> -> memref<1x128xi32, #tpu.memory_space<vmem>>
      %dma_wait3A_262 = tpu.memref_squeeze %dma_wait3A_261 : memref<1x128xi32, #tpu.memory_space<vmem>> -> memref<128xi32, #tpu.memory_space<vmem>>
      %dma_wait3A_263 = arith.constant 0 : i32
      %dma_wait3A_264 = arith.constant 0 : i32
      %dma_wait3A_265 = tpu.memref_slice %arg11[%dma_wait3A_263, %dma_wait3A_264] : memref<8192x128xf32, #tpu.memory_space<vmem_shared>> -> memref<8192x128xf32, #tpu.memory_space<vmem_shared>>
      tpu.wait_indirect_dma semaphore(%run_scoped3A_255 : memref<!tpu.dma_semaphore, #tpu.memory_space<semaphore_mem>>) src(%arg9 : memref<128x128xf32, #tpu.memory_space<vmem>>) dst(%dma_wait3A_265 : memref<8192x128xf32, #tpu.memory_space<vmem_shared>>)
      tpu.yield
    }) : () -> ()
    %eq3A_190 = arith.constant 0 : i32
    %eq3A_191 = arith.cmpi eq, %arg0, %eq3A_190 : i32
    %convert_element_type3A_192 = arith.extui %eq3A_191 : i1 to i32
    %cond3A_193 = arith.constant 0 : i32
    %cond3A_194 = arith.cmpi ne, %convert_element_type3A_192, %cond3A_193 : i32
    scf.if %cond3A_194 {
      %run_scoped3A_255 = arith.constant 11 : i32
      "tpu.region"() ({
        %run_scoped3A_256 = tpu.sem_alloc : memref<!tpu.dma_semaphore, #tpu.memory_space<semaphore_mem>>
        %dma_start3A = arith.constant 0 : i32
        %dma_start3A_257 = tpu.memref_slice %arg8[%run_scoped3A_255, %dma_start3A] : memref<16x128xi32, #tpu.memory_space<vmem>> -> memref<1x128xi32, #tpu.memory_space<vmem>>
        %dma_start3A_258 = tpu.memref_squeeze %dma_start3A_257 : memref<1x128xi32, #tpu.memory_space<vmem>> -> memref<128xi32, #tpu.memory_space<vmem>>
        %dma_start3A_259 = arith.constant 0 : i32
        %dma_start3A_260 = tpu.memref_slice %arg12[%dma_start3A_259] : memref<8192xf32, #tpu.memory_space<vmem_shared>> -> memref<8192xf32, #tpu.memory_space<vmem_shared>>
        tpu.enqueue_indirect_dma source(%arg10 : memref<128xf32, #tpu.memory_space<vmem>>) target(%dma_start3A_260 : memref<8192xf32, #tpu.memory_space<vmem_shared>>) offsets(%dma_start3A_258 : memref<128xi32, #tpu.memory_space<vmem>>) semaphore(%run_scoped3A_256 : memref<!tpu.dma_semaphore, #tpu.memory_space<semaphore_mem>>) {add = true}
        %dma_wait3A = arith.constant 0 : i32
        %dma_wait3A_261 = tpu.memref_slice %arg8[%run_scoped3A_255, %dma_wait3A] : memref<16x128xi32, #tpu.memory_space<vmem>> -> memref<1x128xi32, #tpu.memory_space<vmem>>
        %dma_wait3A_262 = tpu.memref_squeeze %dma_wait3A_261 : memref<1x128xi32, #tpu.memory_space<vmem>> -> memref<128xi32, #tpu.memory_space<vmem>>
        %dma_wait3A_263 = arith.constant 0 : i32
        %dma_wait3A_264 = tpu.memref_slice %arg12[%dma_wait3A_263] : memref<8192xf32, #tpu.memory_space<vmem_shared>> -> memref<8192xf32, #tpu.memory_space<vmem_shared>>
        tpu.wait_indirect_dma semaphore(%run_scoped3A_256 : memref<!tpu.dma_semaphore, #tpu.memory_space<semaphore_mem>>) src(%arg10 : memref<128xf32, #tpu.memory_space<vmem>>) dst(%dma_wait3A_264 : memref<8192xf32, #tpu.memory_space<vmem_shared>>)
        tpu.yield
      }) : () -> ()
    } else {
    }
    %mul3A_195 = arith.constant 2048 : i32
    %mul3A_196 = arith.muli %arg1, %mul3A_195 : i32
    %add3A_197 = arith.constant 1536 : i32
    %add3A_198 = arith.addi %mul3A_196, %add3A_197 : i32
    %mul3A_199 = arith.constant 128 : i32
    %mul3A_200 = arith.muli %arg0, %mul3A_199 : i32
    "tpu.region"() ({
      %run_scoped3A_255 = tpu.sem_alloc : memref<!tpu.dma_semaphore, #tpu.memory_space<semaphore_mem>>
      %dma_start3A = tpu.memref_slice %arg2[%add3A_198, %mul3A_200] : memref<32768x256xf32, #tpu.memory_space<hbm>> -> memref<128x128xf32, #tpu.memory_space<hbm>>
      %dma_start3A_256 = tpu.memref_slice %arg2[%add3A_198, %mul3A_200] : memref<32768x256xf32, #tpu.memory_space<hbm>> -> memref<128x128xf32, #tpu.memory_space<hbm>>
      tpu.enqueue_dma source(%dma_start3A_256 : memref<128x128xf32, #tpu.memory_space<hbm>>) target(%arg9 : memref<128x128xf32, #tpu.memory_space<vmem>>) target_semaphore(%run_scoped3A_255 : memref<!tpu.dma_semaphore, #tpu.memory_space<semaphore_mem>>)
      %dma_wait3A = tpu.memref_slice %arg2[%add3A_198, %mul3A_200] : memref<32768x256xf32, #tpu.memory_space<hbm>> -> memref<128x128xf32, #tpu.memory_space<hbm>>
      %dma_wait3A_257 = tpu.memref_slice %arg2[%add3A_198, %mul3A_200] : memref<32768x256xf32, #tpu.memory_space<hbm>> -> memref<128x128xf32, #tpu.memory_space<hbm>>
      tpu.wait_dma2 semaphore(%run_scoped3A_255 : memref<!tpu.dma_semaphore, #tpu.memory_space<semaphore_mem>>) src(%dma_wait3A_257 : memref<128x128xf32, #tpu.memory_space<hbm>>) dst(%arg9 : memref<128x128xf32, #tpu.memory_space<vmem>>)
      tpu.yield
    }) : () -> ()
    %run_scoped3A_201 = arith.constant 12 : i32
    "tpu.region"() ({
      %run_scoped3A_255 = tpu.sem_alloc : memref<!tpu.dma_semaphore, #tpu.memory_space<semaphore_mem>>
      %dma_start3A = arith.constant 0 : i32
      %dma_start3A_256 = tpu.memref_slice %arg8[%run_scoped3A_201, %dma_start3A] : memref<16x128xi32, #tpu.memory_space<vmem>> -> memref<1x128xi32, #tpu.memory_space<vmem>>
      %dma_start3A_257 = tpu.memref_squeeze %dma_start3A_256 : memref<1x128xi32, #tpu.memory_space<vmem>> -> memref<128xi32, #tpu.memory_space<vmem>>
      %dma_start3A_258 = arith.constant 0 : i32
      %dma_start3A_259 = arith.constant 0 : i32
      %dma_start3A_260 = tpu.memref_slice %arg11[%dma_start3A_258, %dma_start3A_259] : memref<8192x128xf32, #tpu.memory_space<vmem_shared>> -> memref<8192x128xf32, #tpu.memory_space<vmem_shared>>
      tpu.enqueue_indirect_dma source(%arg9 : memref<128x128xf32, #tpu.memory_space<vmem>>) target(%dma_start3A_260 : memref<8192x128xf32, #tpu.memory_space<vmem_shared>>) offsets(%dma_start3A_257 : memref<128xi32, #tpu.memory_space<vmem>>) semaphore(%run_scoped3A_255 : memref<!tpu.dma_semaphore, #tpu.memory_space<semaphore_mem>>) {add = true}
      %dma_wait3A = arith.constant 0 : i32
      %dma_wait3A_261 = tpu.memref_slice %arg8[%run_scoped3A_201, %dma_wait3A] : memref<16x128xi32, #tpu.memory_space<vmem>> -> memref<1x128xi32, #tpu.memory_space<vmem>>
      %dma_wait3A_262 = tpu.memref_squeeze %dma_wait3A_261 : memref<1x128xi32, #tpu.memory_space<vmem>> -> memref<128xi32, #tpu.memory_space<vmem>>
      %dma_wait3A_263 = arith.constant 0 : i32
      %dma_wait3A_264 = arith.constant 0 : i32
      %dma_wait3A_265 = tpu.memref_slice %arg11[%dma_wait3A_263, %dma_wait3A_264] : memref<8192x128xf32, #tpu.memory_space<vmem_shared>> -> memref<8192x128xf32, #tpu.memory_space<vmem_shared>>
      tpu.wait_indirect_dma semaphore(%run_scoped3A_255 : memref<!tpu.dma_semaphore, #tpu.memory_space<semaphore_mem>>) src(%arg9 : memref<128x128xf32, #tpu.memory_space<vmem>>) dst(%dma_wait3A_265 : memref<8192x128xf32, #tpu.memory_space<vmem_shared>>)
      tpu.yield
    }) : () -> ()
    %eq3A_202 = arith.constant 0 : i32
    %eq3A_203 = arith.cmpi eq, %arg0, %eq3A_202 : i32
    %convert_element_type3A_204 = arith.extui %eq3A_203 : i1 to i32
    %cond3A_205 = arith.constant 0 : i32
    %cond3A_206 = arith.cmpi ne, %convert_element_type3A_204, %cond3A_205 : i32
    scf.if %cond3A_206 {
      %run_scoped3A_255 = arith.constant 12 : i32
      "tpu.region"() ({
        %run_scoped3A_256 = tpu.sem_alloc : memref<!tpu.dma_semaphore, #tpu.memory_space<semaphore_mem>>
        %dma_start3A = arith.constant 0 : i32
        %dma_start3A_257 = tpu.memref_slice %arg8[%run_scoped3A_255, %dma_start3A] : memref<16x128xi32, #tpu.memory_space<vmem>> -> memref<1x128xi32, #tpu.memory_space<vmem>>
        %dma_start3A_258 = tpu.memref_squeeze %dma_start3A_257 : memref<1x128xi32, #tpu.memory_space<vmem>> -> memref<128xi32, #tpu.memory_space<vmem>>
        %dma_start3A_259 = arith.constant 0 : i32
        %dma_start3A_260 = tpu.memref_slice %arg12[%dma_start3A_259] : memref<8192xf32, #tpu.memory_space<vmem_shared>> -> memref<8192xf32, #tpu.memory_space<vmem_shared>>
        tpu.enqueue_indirect_dma source(%arg10 : memref<128xf32, #tpu.memory_space<vmem>>) target(%dma_start3A_260 : memref<8192xf32, #tpu.memory_space<vmem_shared>>) offsets(%dma_start3A_258 : memref<128xi32, #tpu.memory_space<vmem>>) semaphore(%run_scoped3A_256 : memref<!tpu.dma_semaphore, #tpu.memory_space<semaphore_mem>>) {add = true}
        %dma_wait3A = arith.constant 0 : i32
        %dma_wait3A_261 = tpu.memref_slice %arg8[%run_scoped3A_255, %dma_wait3A] : memref<16x128xi32, #tpu.memory_space<vmem>> -> memref<1x128xi32, #tpu.memory_space<vmem>>
        %dma_wait3A_262 = tpu.memref_squeeze %dma_wait3A_261 : memref<1x128xi32, #tpu.memory_space<vmem>> -> memref<128xi32, #tpu.memory_space<vmem>>
        %dma_wait3A_263 = arith.constant 0 : i32
        %dma_wait3A_264 = tpu.memref_slice %arg12[%dma_wait3A_263] : memref<8192xf32, #tpu.memory_space<vmem_shared>> -> memref<8192xf32, #tpu.memory_space<vmem_shared>>
        tpu.wait_indirect_dma semaphore(%run_scoped3A_256 : memref<!tpu.dma_semaphore, #tpu.memory_space<semaphore_mem>>) src(%arg10 : memref<128xf32, #tpu.memory_space<vmem>>) dst(%dma_wait3A_264 : memref<8192xf32, #tpu.memory_space<vmem_shared>>)
        tpu.yield
      }) : () -> ()
    } else {
    }
    %mul3A_207 = arith.constant 2048 : i32
    %mul3A_208 = arith.muli %arg1, %mul3A_207 : i32
    %add3A_209 = arith.constant 1664 : i32
    %add3A_210 = arith.addi %mul3A_208, %add3A_209 : i32
    %mul3A_211 = arith.constant 128 : i32
    %mul3A_212 = arith.muli %arg0, %mul3A_211 : i32
    "tpu.region"() ({
      %run_scoped3A_255 = tpu.sem_alloc : memref<!tpu.dma_semaphore, #tpu.memory_space<semaphore_mem>>
      %dma_start3A = tpu.memref_slice %arg2[%add3A_210, %mul3A_212] : memref<32768x256xf32, #tpu.memory_space<hbm>> -> memref<128x128xf32, #tpu.memory_space<hbm>>
      %dma_start3A_256 = tpu.memref_slice %arg2[%add3A_210, %mul3A_212] : memref<32768x256xf32, #tpu.memory_space<hbm>> -> memref<128x128xf32, #tpu.memory_space<hbm>>
      tpu.enqueue_dma source(%dma_start3A_256 : memref<128x128xf32, #tpu.memory_space<hbm>>) target(%arg9 : memref<128x128xf32, #tpu.memory_space<vmem>>) target_semaphore(%run_scoped3A_255 : memref<!tpu.dma_semaphore, #tpu.memory_space<semaphore_mem>>)
      %dma_wait3A = tpu.memref_slice %arg2[%add3A_210, %mul3A_212] : memref<32768x256xf32, #tpu.memory_space<hbm>> -> memref<128x128xf32, #tpu.memory_space<hbm>>
      %dma_wait3A_257 = tpu.memref_slice %arg2[%add3A_210, %mul3A_212] : memref<32768x256xf32, #tpu.memory_space<hbm>> -> memref<128x128xf32, #tpu.memory_space<hbm>>
      tpu.wait_dma2 semaphore(%run_scoped3A_255 : memref<!tpu.dma_semaphore, #tpu.memory_space<semaphore_mem>>) src(%dma_wait3A_257 : memref<128x128xf32, #tpu.memory_space<hbm>>) dst(%arg9 : memref<128x128xf32, #tpu.memory_space<vmem>>)
      tpu.yield
    }) : () -> ()
    %run_scoped3A_213 = arith.constant 13 : i32
    "tpu.region"() ({
      %run_scoped3A_255 = tpu.sem_alloc : memref<!tpu.dma_semaphore, #tpu.memory_space<semaphore_mem>>
      %dma_start3A = arith.constant 0 : i32
      %dma_start3A_256 = tpu.memref_slice %arg8[%run_scoped3A_213, %dma_start3A] : memref<16x128xi32, #tpu.memory_space<vmem>> -> memref<1x128xi32, #tpu.memory_space<vmem>>
      %dma_start3A_257 = tpu.memref_squeeze %dma_start3A_256 : memref<1x128xi32, #tpu.memory_space<vmem>> -> memref<128xi32, #tpu.memory_space<vmem>>
      %dma_start3A_258 = arith.constant 0 : i32
      %dma_start3A_259 = arith.constant 0 : i32
      %dma_start3A_260 = tpu.memref_slice %arg11[%dma_start3A_258, %dma_start3A_259] : memref<8192x128xf32, #tpu.memory_space<vmem_shared>> -> memref<8192x128xf32, #tpu.memory_space<vmem_shared>>
      tpu.enqueue_indirect_dma source(%arg9 : memref<128x128xf32, #tpu.memory_space<vmem>>) target(%dma_start3A_260 : memref<8192x128xf32, #tpu.memory_space<vmem_shared>>) offsets(%dma_start3A_257 : memref<128xi32, #tpu.memory_space<vmem>>) semaphore(%run_scoped3A_255 : memref<!tpu.dma_semaphore, #tpu.memory_space<semaphore_mem>>) {add = true}
      %dma_wait3A = arith.constant 0 : i32
      %dma_wait3A_261 = tpu.memref_slice %arg8[%run_scoped3A_213, %dma_wait3A] : memref<16x128xi32, #tpu.memory_space<vmem>> -> memref<1x128xi32, #tpu.memory_space<vmem>>
      %dma_wait3A_262 = tpu.memref_squeeze %dma_wait3A_261 : memref<1x128xi32, #tpu.memory_space<vmem>> -> memref<128xi32, #tpu.memory_space<vmem>>
      %dma_wait3A_263 = arith.constant 0 : i32
      %dma_wait3A_264 = arith.constant 0 : i32
      %dma_wait3A_265 = tpu.memref_slice %arg11[%dma_wait3A_263, %dma_wait3A_264] : memref<8192x128xf32, #tpu.memory_space<vmem_shared>> -> memref<8192x128xf32, #tpu.memory_space<vmem_shared>>
      tpu.wait_indirect_dma semaphore(%run_scoped3A_255 : memref<!tpu.dma_semaphore, #tpu.memory_space<semaphore_mem>>) src(%arg9 : memref<128x128xf32, #tpu.memory_space<vmem>>) dst(%dma_wait3A_265 : memref<8192x128xf32, #tpu.memory_space<vmem_shared>>)
      tpu.yield
    }) : () -> ()
    %eq3A_214 = arith.constant 0 : i32
    %eq3A_215 = arith.cmpi eq, %arg0, %eq3A_214 : i32
    %convert_element_type3A_216 = arith.extui %eq3A_215 : i1 to i32
    %cond3A_217 = arith.constant 0 : i32
    %cond3A_218 = arith.cmpi ne, %convert_element_type3A_216, %cond3A_217 : i32
    scf.if %cond3A_218 {
      %run_scoped3A_255 = arith.constant 13 : i32
      "tpu.region"() ({
        %run_scoped3A_256 = tpu.sem_alloc : memref<!tpu.dma_semaphore, #tpu.memory_space<semaphore_mem>>
        %dma_start3A = arith.constant 0 : i32
        %dma_start3A_257 = tpu.memref_slice %arg8[%run_scoped3A_255, %dma_start3A] : memref<16x128xi32, #tpu.memory_space<vmem>> -> memref<1x128xi32, #tpu.memory_space<vmem>>
        %dma_start3A_258 = tpu.memref_squeeze %dma_start3A_257 : memref<1x128xi32, #tpu.memory_space<vmem>> -> memref<128xi32, #tpu.memory_space<vmem>>
        %dma_start3A_259 = arith.constant 0 : i32
        %dma_start3A_260 = tpu.memref_slice %arg12[%dma_start3A_259] : memref<8192xf32, #tpu.memory_space<vmem_shared>> -> memref<8192xf32, #tpu.memory_space<vmem_shared>>
        tpu.enqueue_indirect_dma source(%arg10 : memref<128xf32, #tpu.memory_space<vmem>>) target(%dma_start3A_260 : memref<8192xf32, #tpu.memory_space<vmem_shared>>) offsets(%dma_start3A_258 : memref<128xi32, #tpu.memory_space<vmem>>) semaphore(%run_scoped3A_256 : memref<!tpu.dma_semaphore, #tpu.memory_space<semaphore_mem>>) {add = true}
        %dma_wait3A = arith.constant 0 : i32
        %dma_wait3A_261 = tpu.memref_slice %arg8[%run_scoped3A_255, %dma_wait3A] : memref<16x128xi32, #tpu.memory_space<vmem>> -> memref<1x128xi32, #tpu.memory_space<vmem>>
        %dma_wait3A_262 = tpu.memref_squeeze %dma_wait3A_261 : memref<1x128xi32, #tpu.memory_space<vmem>> -> memref<128xi32, #tpu.memory_space<vmem>>
        %dma_wait3A_263 = arith.constant 0 : i32
        %dma_wait3A_264 = tpu.memref_slice %arg12[%dma_wait3A_263] : memref<8192xf32, #tpu.memory_space<vmem_shared>> -> memref<8192xf32, #tpu.memory_space<vmem_shared>>
        tpu.wait_indirect_dma semaphore(%run_scoped3A_256 : memref<!tpu.dma_semaphore, #tpu.memory_space<semaphore_mem>>) src(%arg10 : memref<128xf32, #tpu.memory_space<vmem>>) dst(%dma_wait3A_264 : memref<8192xf32, #tpu.memory_space<vmem_shared>>)
        tpu.yield
      }) : () -> ()
    } else {
    }
    %mul3A_219 = arith.constant 2048 : i32
    %mul3A_220 = arith.muli %arg1, %mul3A_219 : i32
    %add3A_221 = arith.constant 1792 : i32
    %add3A_222 = arith.addi %mul3A_220, %add3A_221 : i32
    %mul3A_223 = arith.constant 128 : i32
    %mul3A_224 = arith.muli %arg0, %mul3A_223 : i32
    "tpu.region"() ({
      %run_scoped3A_255 = tpu.sem_alloc : memref<!tpu.dma_semaphore, #tpu.memory_space<semaphore_mem>>
      %dma_start3A = tpu.memref_slice %arg2[%add3A_222, %mul3A_224] : memref<32768x256xf32, #tpu.memory_space<hbm>> -> memref<128x128xf32, #tpu.memory_space<hbm>>
      %dma_start3A_256 = tpu.memref_slice %arg2[%add3A_222, %mul3A_224] : memref<32768x256xf32, #tpu.memory_space<hbm>> -> memref<128x128xf32, #tpu.memory_space<hbm>>
      tpu.enqueue_dma source(%dma_start3A_256 : memref<128x128xf32, #tpu.memory_space<hbm>>) target(%arg9 : memref<128x128xf32, #tpu.memory_space<vmem>>) target_semaphore(%run_scoped3A_255 : memref<!tpu.dma_semaphore, #tpu.memory_space<semaphore_mem>>)
      %dma_wait3A = tpu.memref_slice %arg2[%add3A_222, %mul3A_224] : memref<32768x256xf32, #tpu.memory_space<hbm>> -> memref<128x128xf32, #tpu.memory_space<hbm>>
      %dma_wait3A_257 = tpu.memref_slice %arg2[%add3A_222, %mul3A_224] : memref<32768x256xf32, #tpu.memory_space<hbm>> -> memref<128x128xf32, #tpu.memory_space<hbm>>
      tpu.wait_dma2 semaphore(%run_scoped3A_255 : memref<!tpu.dma_semaphore, #tpu.memory_space<semaphore_mem>>) src(%dma_wait3A_257 : memref<128x128xf32, #tpu.memory_space<hbm>>) dst(%arg9 : memref<128x128xf32, #tpu.memory_space<vmem>>)
      tpu.yield
    }) : () -> ()
    %run_scoped3A_225 = arith.constant 14 : i32
    "tpu.region"() ({
      %run_scoped3A_255 = tpu.sem_alloc : memref<!tpu.dma_semaphore, #tpu.memory_space<semaphore_mem>>
      %dma_start3A = arith.constant 0 : i32
      %dma_start3A_256 = tpu.memref_slice %arg8[%run_scoped3A_225, %dma_start3A] : memref<16x128xi32, #tpu.memory_space<vmem>> -> memref<1x128xi32, #tpu.memory_space<vmem>>
      %dma_start3A_257 = tpu.memref_squeeze %dma_start3A_256 : memref<1x128xi32, #tpu.memory_space<vmem>> -> memref<128xi32, #tpu.memory_space<vmem>>
      %dma_start3A_258 = arith.constant 0 : i32
      %dma_start3A_259 = arith.constant 0 : i32
      %dma_start3A_260 = tpu.memref_slice %arg11[%dma_start3A_258, %dma_start3A_259] : memref<8192x128xf32, #tpu.memory_space<vmem_shared>> -> memref<8192x128xf32, #tpu.memory_space<vmem_shared>>
      tpu.enqueue_indirect_dma source(%arg9 : memref<128x128xf32, #tpu.memory_space<vmem>>) target(%dma_start3A_260 : memref<8192x128xf32, #tpu.memory_space<vmem_shared>>) offsets(%dma_start3A_257 : memref<128xi32, #tpu.memory_space<vmem>>) semaphore(%run_scoped3A_255 : memref<!tpu.dma_semaphore, #tpu.memory_space<semaphore_mem>>) {add = true}
      %dma_wait3A = arith.constant 0 : i32
      %dma_wait3A_261 = tpu.memref_slice %arg8[%run_scoped3A_225, %dma_wait3A] : memref<16x128xi32, #tpu.memory_space<vmem>> -> memref<1x128xi32, #tpu.memory_space<vmem>>
      %dma_wait3A_262 = tpu.memref_squeeze %dma_wait3A_261 : memref<1x128xi32, #tpu.memory_space<vmem>> -> memref<128xi32, #tpu.memory_space<vmem>>
      %dma_wait3A_263 = arith.constant 0 : i32
      %dma_wait3A_264 = arith.constant 0 : i32
      %dma_wait3A_265 = tpu.memref_slice %arg11[%dma_wait3A_263, %dma_wait3A_264] : memref<8192x128xf32, #tpu.memory_space<vmem_shared>> -> memref<8192x128xf32, #tpu.memory_space<vmem_shared>>
      tpu.wait_indirect_dma semaphore(%run_scoped3A_255 : memref<!tpu.dma_semaphore, #tpu.memory_space<semaphore_mem>>) src(%arg9 : memref<128x128xf32, #tpu.memory_space<vmem>>) dst(%dma_wait3A_265 : memref<8192x128xf32, #tpu.memory_space<vmem_shared>>)
      tpu.yield
    }) : () -> ()
    %eq3A_226 = arith.constant 0 : i32
    %eq3A_227 = arith.cmpi eq, %arg0, %eq3A_226 : i32
    %convert_element_type3A_228 = arith.extui %eq3A_227 : i1 to i32
    %cond3A_229 = arith.constant 0 : i32
    %cond3A_230 = arith.cmpi ne, %convert_element_type3A_228, %cond3A_229 : i32
    scf.if %cond3A_230 {
      %run_scoped3A_255 = arith.constant 14 : i32
      "tpu.region"() ({
        %run_scoped3A_256 = tpu.sem_alloc : memref<!tpu.dma_semaphore, #tpu.memory_space<semaphore_mem>>
        %dma_start3A = arith.constant 0 : i32
        %dma_start3A_257 = tpu.memref_slice %arg8[%run_scoped3A_255, %dma_start3A] : memref<16x128xi32, #tpu.memory_space<vmem>> -> memref<1x128xi32, #tpu.memory_space<vmem>>
        %dma_start3A_258 = tpu.memref_squeeze %dma_start3A_257 : memref<1x128xi32, #tpu.memory_space<vmem>> -> memref<128xi32, #tpu.memory_space<vmem>>
        %dma_start3A_259 = arith.constant 0 : i32
        %dma_start3A_260 = tpu.memref_slice %arg12[%dma_start3A_259] : memref<8192xf32, #tpu.memory_space<vmem_shared>> -> memref<8192xf32, #tpu.memory_space<vmem_shared>>
        tpu.enqueue_indirect_dma source(%arg10 : memref<128xf32, #tpu.memory_space<vmem>>) target(%dma_start3A_260 : memref<8192xf32, #tpu.memory_space<vmem_shared>>) offsets(%dma_start3A_258 : memref<128xi32, #tpu.memory_space<vmem>>) semaphore(%run_scoped3A_256 : memref<!tpu.dma_semaphore, #tpu.memory_space<semaphore_mem>>) {add = true}
        %dma_wait3A = arith.constant 0 : i32
        %dma_wait3A_261 = tpu.memref_slice %arg8[%run_scoped3A_255, %dma_wait3A] : memref<16x128xi32, #tpu.memory_space<vmem>> -> memref<1x128xi32, #tpu.memory_space<vmem>>
        %dma_wait3A_262 = tpu.memref_squeeze %dma_wait3A_261 : memref<1x128xi32, #tpu.memory_space<vmem>> -> memref<128xi32, #tpu.memory_space<vmem>>
        %dma_wait3A_263 = arith.constant 0 : i32
        %dma_wait3A_264 = tpu.memref_slice %arg12[%dma_wait3A_263] : memref<8192xf32, #tpu.memory_space<vmem_shared>> -> memref<8192xf32, #tpu.memory_space<vmem_shared>>
        tpu.wait_indirect_dma semaphore(%run_scoped3A_256 : memref<!tpu.dma_semaphore, #tpu.memory_space<semaphore_mem>>) src(%arg10 : memref<128xf32, #tpu.memory_space<vmem>>) dst(%dma_wait3A_264 : memref<8192xf32, #tpu.memory_space<vmem_shared>>)
        tpu.yield
      }) : () -> ()
    } else {
    }
    %mul3A_231 = arith.constant 2048 : i32
    %mul3A_232 = arith.muli %arg1, %mul3A_231 : i32
    %add3A_233 = arith.constant 1920 : i32
    %add3A_234 = arith.addi %mul3A_232, %add3A_233 : i32
    %mul3A_235 = arith.constant 128 : i32
    %mul3A_236 = arith.muli %arg0, %mul3A_235 : i32
    "tpu.region"() ({
      %run_scoped3A_255 = tpu.sem_alloc : memref<!tpu.dma_semaphore, #tpu.memory_space<semaphore_mem>>
      %dma_start3A = tpu.memref_slice %arg2[%add3A_234, %mul3A_236] : memref<32768x256xf32, #tpu.memory_space<hbm>> -> memref<128x128xf32, #tpu.memory_space<hbm>>
      %dma_start3A_256 = tpu.memref_slice %arg2[%add3A_234, %mul3A_236] : memref<32768x256xf32, #tpu.memory_space<hbm>> -> memref<128x128xf32, #tpu.memory_space<hbm>>
      tpu.enqueue_dma source(%dma_start3A_256 : memref<128x128xf32, #tpu.memory_space<hbm>>) target(%arg9 : memref<128x128xf32, #tpu.memory_space<vmem>>) target_semaphore(%run_scoped3A_255 : memref<!tpu.dma_semaphore, #tpu.memory_space<semaphore_mem>>)
      %dma_wait3A = tpu.memref_slice %arg2[%add3A_234, %mul3A_236] : memref<32768x256xf32, #tpu.memory_space<hbm>> -> memref<128x128xf32, #tpu.memory_space<hbm>>
      %dma_wait3A_257 = tpu.memref_slice %arg2[%add3A_234, %mul3A_236] : memref<32768x256xf32, #tpu.memory_space<hbm>> -> memref<128x128xf32, #tpu.memory_space<hbm>>
      tpu.wait_dma2 semaphore(%run_scoped3A_255 : memref<!tpu.dma_semaphore, #tpu.memory_space<semaphore_mem>>) src(%dma_wait3A_257 : memref<128x128xf32, #tpu.memory_space<hbm>>) dst(%arg9 : memref<128x128xf32, #tpu.memory_space<vmem>>)
      tpu.yield
    }) : () -> ()
    %run_scoped3A_237 = arith.constant 15 : i32
    "tpu.region"() ({
      %run_scoped3A_255 = tpu.sem_alloc : memref<!tpu.dma_semaphore, #tpu.memory_space<semaphore_mem>>
      %dma_start3A = arith.constant 0 : i32
      %dma_start3A_256 = tpu.memref_slice %arg8[%run_scoped3A_237, %dma_start3A] : memref<16x128xi32, #tpu.memory_space<vmem>> -> memref<1x128xi32, #tpu.memory_space<vmem>>
      %dma_start3A_257 = tpu.memref_squeeze %dma_start3A_256 : memref<1x128xi32, #tpu.memory_space<vmem>> -> memref<128xi32, #tpu.memory_space<vmem>>
      %dma_start3A_258 = arith.constant 0 : i32
      %dma_start3A_259 = arith.constant 0 : i32
      %dma_start3A_260 = tpu.memref_slice %arg11[%dma_start3A_258, %dma_start3A_259] : memref<8192x128xf32, #tpu.memory_space<vmem_shared>> -> memref<8192x128xf32, #tpu.memory_space<vmem_shared>>
      tpu.enqueue_indirect_dma source(%arg9 : memref<128x128xf32, #tpu.memory_space<vmem>>) target(%dma_start3A_260 : memref<8192x128xf32, #tpu.memory_space<vmem_shared>>) offsets(%dma_start3A_257 : memref<128xi32, #tpu.memory_space<vmem>>) semaphore(%run_scoped3A_255 : memref<!tpu.dma_semaphore, #tpu.memory_space<semaphore_mem>>) {add = true}
      %dma_wait3A = arith.constant 0 : i32
      %dma_wait3A_261 = tpu.memref_slice %arg8[%run_scoped3A_237, %dma_wait3A] : memref<16x128xi32, #tpu.memory_space<vmem>> -> memref<1x128xi32, #tpu.memory_space<vmem>>
      %dma_wait3A_262 = tpu.memref_squeeze %dma_wait3A_261 : memref<1x128xi32, #tpu.memory_space<vmem>> -> memref<128xi32, #tpu.memory_space<vmem>>
      %dma_wait3A_263 = arith.constant 0 : i32
      %dma_wait3A_264 = arith.constant 0 : i32
      %dma_wait3A_265 = tpu.memref_slice %arg11[%dma_wait3A_263, %dma_wait3A_264] : memref<8192x128xf32, #tpu.memory_space<vmem_shared>> -> memref<8192x128xf32, #tpu.memory_space<vmem_shared>>
      tpu.wait_indirect_dma semaphore(%run_scoped3A_255 : memref<!tpu.dma_semaphore, #tpu.memory_space<semaphore_mem>>) src(%arg9 : memref<128x128xf32, #tpu.memory_space<vmem>>) dst(%dma_wait3A_265 : memref<8192x128xf32, #tpu.memory_space<vmem_shared>>)
      tpu.yield
    }) : () -> ()
    %eq3A_238 = arith.constant 0 : i32
    %eq3A_239 = arith.cmpi eq, %arg0, %eq3A_238 : i32
    %convert_element_type3A_240 = arith.extui %eq3A_239 : i1 to i32
    %cond3A_241 = arith.constant 0 : i32
    %cond3A_242 = arith.cmpi ne, %convert_element_type3A_240, %cond3A_241 : i32
    scf.if %cond3A_242 {
      %run_scoped3A_255 = arith.constant 15 : i32
      "tpu.region"() ({
        %run_scoped3A_256 = tpu.sem_alloc : memref<!tpu.dma_semaphore, #tpu.memory_space<semaphore_mem>>
        %dma_start3A = arith.constant 0 : i32
        %dma_start3A_257 = tpu.memref_slice %arg8[%run_scoped3A_255, %dma_start3A] : memref<16x128xi32, #tpu.memory_space<vmem>> -> memref<1x128xi32, #tpu.memory_space<vmem>>
        %dma_start3A_258 = tpu.memref_squeeze %dma_start3A_257 : memref<1x128xi32, #tpu.memory_space<vmem>> -> memref<128xi32, #tpu.memory_space<vmem>>
        %dma_start3A_259 = arith.constant 0 : i32
        %dma_start3A_260 = tpu.memref_slice %arg12[%dma_start3A_259] : memref<8192xf32, #tpu.memory_space<vmem_shared>> -> memref<8192xf32, #tpu.memory_space<vmem_shared>>
        tpu.enqueue_indirect_dma source(%arg10 : memref<128xf32, #tpu.memory_space<vmem>>) target(%dma_start3A_260 : memref<8192xf32, #tpu.memory_space<vmem_shared>>) offsets(%dma_start3A_258 : memref<128xi32, #tpu.memory_space<vmem>>) semaphore(%run_scoped3A_256 : memref<!tpu.dma_semaphore, #tpu.memory_space<semaphore_mem>>) {add = true}
        %dma_wait3A = arith.constant 0 : i32
        %dma_wait3A_261 = tpu.memref_slice %arg8[%run_scoped3A_255, %dma_wait3A] : memref<16x128xi32, #tpu.memory_space<vmem>> -> memref<1x128xi32, #tpu.memory_space<vmem>>
        %dma_wait3A_262 = tpu.memref_squeeze %dma_wait3A_261 : memref<1x128xi32, #tpu.memory_space<vmem>> -> memref<128xi32, #tpu.memory_space<vmem>>
        %dma_wait3A_263 = arith.constant 0 : i32
        %dma_wait3A_264 = tpu.memref_slice %arg12[%dma_wait3A_263] : memref<8192xf32, #tpu.memory_space<vmem_shared>> -> memref<8192xf32, #tpu.memory_space<vmem_shared>>
        tpu.wait_indirect_dma semaphore(%run_scoped3A_256 : memref<!tpu.dma_semaphore, #tpu.memory_space<semaphore_mem>>) src(%arg10 : memref<128xf32, #tpu.memory_space<vmem>>) dst(%dma_wait3A_264 : memref<8192xf32, #tpu.memory_space<vmem_shared>>)
        tpu.yield
      }) : () -> ()
    } else {
    }
    %barrier3A_243 = arith.constant 0 : index
    tpu.barrier barrier_id(%barrier3A_243)
    %mul3A_244 = arith.constant 512 : i32
    %mul3A_245 = arith.muli %arg1, %mul3A_244 : i32
    %mul3A_246 = arith.constant 512 : i32
    %mul3A_247 = arith.muli %arg1, %mul3A_246 : i32
    %mul3A_248 = arith.constant 128 : i32
    %mul3A_249 = arith.muli %arg0, %mul3A_248 : i32
    "tpu.region"() ({
      %run_scoped3A_255 = tpu.sem_alloc : memref<!tpu.dma_semaphore, #tpu.memory_space<semaphore_mem>>
      %dma_start3A = tpu.memref_slice %arg6[%mul3A_247, %mul3A_249] : memref<8192x256xf32, #tpu.memory_space<hbm>> -> memref<512x128xf32, #tpu.memory_space<hbm>>
      %dma_start3A_256 = arith.constant 0 : i32
      %dma_start3A_257 = tpu.memref_slice %arg11[%mul3A_245, %dma_start3A_256] : memref<8192x128xf32, #tpu.memory_space<vmem_shared>> -> memref<512x128xf32, #tpu.memory_space<vmem_shared>>
      tpu.enqueue_dma source(%dma_start3A_257 : memref<512x128xf32, #tpu.memory_space<vmem_shared>>) target(%dma_start3A : memref<512x128xf32, #tpu.memory_space<hbm>>) target_semaphore(%run_scoped3A_255 : memref<!tpu.dma_semaphore, #tpu.memory_space<semaphore_mem>>)
      %dma_wait3A = tpu.memref_slice %arg6[%mul3A_247, %mul3A_249] : memref<8192x256xf32, #tpu.memory_space<hbm>> -> memref<512x128xf32, #tpu.memory_space<hbm>>
      %dma_wait3A_258 = arith.constant 0 : i32
      %dma_wait3A_259 = tpu.memref_slice %arg11[%mul3A_245, %dma_wait3A_258] : memref<8192x128xf32, #tpu.memory_space<vmem_shared>> -> memref<512x128xf32, #tpu.memory_space<vmem_shared>>
      tpu.wait_dma2 semaphore(%run_scoped3A_255 : memref<!tpu.dma_semaphore, #tpu.memory_space<semaphore_mem>>) src(%dma_wait3A_259 : memref<512x128xf32, #tpu.memory_space<vmem_shared>>) dst(%dma_wait3A : memref<512x128xf32, #tpu.memory_space<hbm>>)
      tpu.yield
    }) : () -> ()
    %eq3A_250 = arith.constant 0 : i32
    %eq3A_251 = arith.cmpi eq, %arg0, %eq3A_250 : i32
    %convert_element_type3A_252 = arith.extui %eq3A_251 : i1 to i32
    %cond3A_253 = arith.constant 0 : i32
    %cond3A_254 = arith.cmpi ne, %convert_element_type3A_252, %cond3A_253 : i32
    scf.if %cond3A_254 {
      %mul3A_255 = arith.constant 512 : i32
      %mul3A_256 = arith.muli %arg1, %mul3A_255 : i32
      %mul3A_257 = arith.constant 512 : i32
      %mul3A_258 = arith.muli %arg1, %mul3A_257 : i32
      "tpu.region"() ({
        %run_scoped3A_259 = tpu.sem_alloc : memref<!tpu.dma_semaphore, #tpu.memory_space<semaphore_mem>>
        %dma_start3A = tpu.memref_slice %arg7[%mul3A_258] : memref<8192xf32, #tpu.memory_space<hbm>> -> memref<512xf32, #tpu.memory_space<hbm>>
        %dma_start3A_260 = tpu.memref_slice %arg12[%mul3A_256] : memref<8192xf32, #tpu.memory_space<vmem_shared>> -> memref<512xf32, #tpu.memory_space<vmem_shared>>
        tpu.enqueue_dma source(%dma_start3A_260 : memref<512xf32, #tpu.memory_space<vmem_shared>>) target(%dma_start3A : memref<512xf32, #tpu.memory_space<hbm>>) target_semaphore(%run_scoped3A_259 : memref<!tpu.dma_semaphore, #tpu.memory_space<semaphore_mem>>)
        %dma_wait3A = tpu.memref_slice %arg7[%mul3A_258] : memref<8192xf32, #tpu.memory_space<hbm>> -> memref<512xf32, #tpu.memory_space<hbm>>
        %dma_wait3A_261 = tpu.memref_slice %arg12[%mul3A_256] : memref<8192xf32, #tpu.memory_space<vmem_shared>> -> memref<512xf32, #tpu.memory_space<vmem_shared>>
        tpu.wait_dma2 semaphore(%run_scoped3A_259 : memref<!tpu.dma_semaphore, #tpu.memory_space<semaphore_mem>>) src(%dma_wait3A_261 : memref<512xf32, #tpu.memory_space<vmem_shared>>) dst(%dma_wait3A : memref<512xf32, #tpu.memory_space<hbm>>)
        tpu.yield
      }) : () -> ()
    } else {
    }
    return
  }
}

module attributes {stable_mosaic.version = 14 : i64} {
  func.func @_argmin_body(%arg0: i32, %arg1: i32, %arg2: memref<1024x256xf32, #tpu.memory_space<vmem>>, %arg3: memref<2048x256xf32, #tpu.memory_space<vmem>>, %arg4: memref<1x1x1024xi32, #tpu.memory_space<vmem>>, %arg5: memref<32x1024xf32, #tpu.memory_space<vmem>>, %arg6: memref<32x1024xi32, #tpu.memory_space<vmem>>) attributes {dimension_semantics = [#tpu.dimension_semantics<arbitrary>, #tpu.dimension_semantics<arbitrary>], iteration_bounds = array<i64: 4, 32>, scalar_prefetch = 0 : i64, scratch_operands = 2 : i64, tpu.core_type = #tpu.core_type<tc>, window_params = [{transform_indices = @transform_0, window_bounds = array<i64: 1024, 256>}, {transform_indices = @transform_1, window_bounds = array<i64: 2048, 256>}, {transform_indices = @transform_2, window_bounds = array<i64: 1, 1, 1024>}]} {
    %get3A = arith.constant 0 : index
    %get3A_0 = arith.constant 0 : index
    %get3A_1 = vector.load %arg2[%get3A, %get3A_0] : memref<1024x256xf32, #tpu.memory_space<vmem>>, vector<1024x256xf32>
    %get3A_2 = arith.constant 0 : index
    %get3A_3 = arith.constant 0 : index
    %get3A_4 = vector.load %arg3[%get3A_2, %get3A_3] : memref<2048x256xf32, #tpu.memory_space<vmem>>, vector<2048x256xf32>
    %mul3A = arith.mulf %get3A_1, %get3A_1 : vector<1024x256xf32>
    %reduce_sum3A = arith.constant dense<0.000000e+00> : vector<1024xf32>
    %reduce_sum3A_5 = vector.multi_reduction <add>, %mul3A, %reduce_sum3A [1] : vector<1024x256xf32> to vector<1024xf32>
    %broadcast_in_dim3A = vector.shape_cast %reduce_sum3A_5 : vector<1024xf32> to vector<1024x1xf32>
    %mul3A_6 = arith.mulf %get3A_4, %get3A_4 : vector<2048x256xf32>
    %reduce_sum3A_7 = arith.constant dense<0.000000e+00> : vector<2048xf32>
    %reduce_sum3A_8 = vector.multi_reduction <add>, %mul3A_6, %reduce_sum3A_7 [1] : vector<2048x256xf32> to vector<2048xf32>
    %dot_general3A = arith.constant dense<0.000000e+00> : vector<1024x2048xf32>
    %dot_general3A_9 = tpu.matmul %get3A_1, %get3A_4, %dot_general3A {dimension_numbers = #tpu.dot_dimension_numbers<[1], [1], [0], [0], [0, 0, 1, 0], [], []>, transpose_lhs_hint = false} : vector<1024x256xf32>, vector<2048x256xf32>, vector<1024x2048xf32> -> vector<1024x2048xf32>
    %broadcast_in_dim3A_10 = vector.shape_cast %reduce_sum3A_8 : vector<2048xf32> to vector<1x2048xf32>
    %add3A = vector.broadcast %broadcast_in_dim3A : vector<1024x1xf32> to vector<1024x2048xf32>
    %add3A_11 = vector.broadcast %broadcast_in_dim3A_10 : vector<1x2048xf32> to vector<1024x2048xf32>
    %add3A_12 = arith.addf %add3A, %add3A_11 : vector<1024x2048xf32>
    %mul3A_13 = arith.constant 2.000000e+00 : f32
    %mul3A_14 = vector.broadcast %mul3A_13 : f32 to vector<1024x2048xf32>
    %mul3A_15 = arith.mulf %mul3A_14, %dot_general3A_9 : vector<1024x2048xf32>
    %sub3A = arith.subf %add3A_12, %mul3A_15 : vector<1024x2048xf32>
    %max3A = arith.constant 0.000000e+00 : f32
    %max3A_16 = vector.broadcast %max3A : f32 to vector<1024x2048xf32>
    %max3A_17 = arith.maximumf %sub3A, %max3A_16 : vector<1024x2048xf32>
    %reduce_min3A = arith.constant dense<0x7F800000> : vector<1024xf32>
    %reduce_min3A_18 = vector.multi_reduction <minimumf>, %max3A_17, %reduce_min3A [1] : vector<1024x2048xf32> to vector<1024xf32>
    %broadcast_in_dim3A_19 = vector.shape_cast %reduce_min3A_18 : vector<1024xf32> to vector<1024x1xf32>
    %iota3A = tpu.iota {dimensions = array<i32: 1>} : vector<1024x2048xi32>
    %eq3A = vector.broadcast %broadcast_in_dim3A_19 : vector<1024x1xf32> to vector<1024x2048xf32>
    %eq3A_20 = arith.cmpf oeq, %max3A_17, %eq3A : vector<1024x2048xf32>
    %jit3A = arith.constant 1073741824 : i32
    %broadcast_in_dim3A_21 = vector.broadcast %jit3A : i32 to vector<1024x2048xi32>
    %select_n3A = arith.select %eq3A_20, %iota3A, %broadcast_in_dim3A_21 : vector<1024x2048xi1>, vector<1024x2048xi32>
    %reduce_min3A_22 = arith.constant dense<2147483647> : vector<1024xi32>
    %reduce_min3A_23 = vector.multi_reduction <minsi>, %select_n3A, %reduce_min3A_22 [1] : vector<1024x2048xi32> to vector<1024xi32>
    %squeeze3A = vector.shape_cast %broadcast_in_dim3A_19 : vector<1024x1xf32> to vector<1024xf32>
    %mul3A_24 = arith.constant 2048 : i32
    %mul3A_25 = arith.muli %arg0, %mul3A_24 : i32
    %add3A_26 = vector.broadcast %mul3A_25 : i32 to vector<1024xi32>
    %add3A_27 = arith.addi %reduce_min3A_23, %add3A_26 : vector<1024xi32>
    %eq3A_28 = arith.constant 0 : i32
    %eq3A_29 = arith.cmpi eq, %arg0, %eq3A_28 : i32
    %convert_element_type3A = arith.extui %eq3A_29 : i1 to i32
    %cond3A = arith.constant 0 : i32
    %cond3A_30 = arith.cmpi ne, %convert_element_type3A, %cond3A : i32
    scf.if %cond3A_30 {
      %swap3A = arith.index_cast %arg1 : i32 to index
      %swap3A_40 = arith.constant 0 : index
      %swap3A_41 = vector.load %arg5[%swap3A, %swap3A_40] : memref<32x1024xf32, #tpu.memory_space<vmem>>, vector<1x1024xf32>
      %swap3A_42 = vector.shape_cast %swap3A_41 : vector<1x1024xf32> to vector<1024xf32>
      %swap3A_43 = vector.shape_cast %squeeze3A : vector<1024xf32> to vector<1x1024xf32>
      tpu.vector_store %arg5[%swap3A, %swap3A_40], %swap3A_43 {strides = array<i32>} : memref<32x1024xf32, #tpu.memory_space<vmem>>, vector<1x1024xf32>,
      %swap3A_44 = arith.index_cast %arg1 : i32 to index
      %swap3A_45 = arith.constant 0 : index
      %swap3A_46 = vector.load %arg6[%swap3A_44, %swap3A_45] : memref<32x1024xi32, #tpu.memory_space<vmem>>, vector<1x1024xi32>
      %swap3A_47 = vector.shape_cast %swap3A_46 : vector<1x1024xi32> to vector<1024xi32>
      %swap3A_48 = vector.shape_cast %add3A_27 : vector<1024xi32> to vector<1x1024xi32>
      tpu.vector_store %arg6[%swap3A_44, %swap3A_45], %swap3A_48 {strides = array<i32>} : memref<32x1024xi32, #tpu.memory_space<vmem>>, vector<1x1024xi32>,
    } else {
    }
    %gt3A = arith.constant 0 : i32
    %gt3A_31 = arith.cmpi sgt, %arg0, %gt3A : i32
    %convert_element_type3A_32 = arith.extui %gt3A_31 : i1 to i32
    %cond3A_33 = arith.constant 0 : i32
    %cond3A_34 = arith.cmpi ne, %convert_element_type3A_32, %cond3A_33 : i32
    scf.if %cond3A_34 {
      %get3A_40 = arith.index_cast %arg1 : i32 to index
      %get3A_41 = arith.constant 0 : index
      %get3A_42 = vector.load %arg5[%get3A_40, %get3A_41] : memref<32x1024xf32, #tpu.memory_space<vmem>>, vector<1x1024xf32>
      %get3A_43 = vector.shape_cast %get3A_42 : vector<1x1024xf32> to vector<1024xf32>
      %lt3A = arith.cmpf olt, %squeeze3A, %get3A_43 : vector<1024xf32>
      %get3A_44 = arith.index_cast %arg1 : i32 to index
      %get3A_45 = arith.constant 0 : index
      %get3A_46 = vector.load %arg5[%get3A_44, %get3A_45] : memref<32x1024xf32, #tpu.memory_space<vmem>>, vector<1x1024xf32>
      %get3A_47 = vector.shape_cast %get3A_46 : vector<1x1024xf32> to vector<1024xf32>
      %select_n3A_48 = arith.select %lt3A, %squeeze3A, %get3A_47 : vector<1024xi1>, vector<1024xf32>
      %swap3A = arith.index_cast %arg1 : i32 to index
      %swap3A_49 = arith.constant 0 : index
      %swap3A_50 = vector.load %arg5[%swap3A, %swap3A_49] : memref<32x1024xf32, #tpu.memory_space<vmem>>, vector<1x1024xf32>
      %swap3A_51 = vector.shape_cast %swap3A_50 : vector<1x1024xf32> to vector<1024xf32>
      %swap3A_52 = vector.shape_cast %select_n3A_48 : vector<1024xf32> to vector<1x1024xf32>
      tpu.vector_store %arg5[%swap3A, %swap3A_49], %swap3A_52 {strides = array<i32>} : memref<32x1024xf32, #tpu.memory_space<vmem>>, vector<1x1024xf32>,
      %get3A_53 = arith.index_cast %arg1 : i32 to index
      %get3A_54 = arith.constant 0 : index
      %get3A_55 = vector.load %arg6[%get3A_53, %get3A_54] : memref<32x1024xi32, #tpu.memory_space<vmem>>, vector<1x1024xi32>
      %get3A_56 = vector.shape_cast %get3A_55 : vector<1x1024xi32> to vector<1024xi32>
      %select_n3A_57 = arith.select %lt3A, %add3A_27, %get3A_56 : vector<1024xi1>, vector<1024xi32>
      %swap3A_58 = arith.index_cast %arg1 : i32 to index
      %swap3A_59 = arith.constant 0 : index
      %swap3A_60 = vector.load %arg6[%swap3A_58, %swap3A_59] : memref<32x1024xi32, #tpu.memory_space<vmem>>, vector<1x1024xi32>
      %swap3A_61 = vector.shape_cast %swap3A_60 : vector<1x1024xi32> to vector<1024xi32>
      %swap3A_62 = vector.shape_cast %select_n3A_57 : vector<1024xi32> to vector<1x1024xi32>
      tpu.vector_store %arg6[%swap3A_58, %swap3A_59], %swap3A_62 {strides = array<i32>} : memref<32x1024xi32, #tpu.memory_space<vmem>>, vector<1x1024xi32>,
    } else {
    }
    %eq3A_35 = arith.constant 3 : i32
    %eq3A_36 = arith.cmpi eq, %arg0, %eq3A_35 : i32
    %convert_element_type3A_37 = arith.extui %eq3A_36 : i1 to i32
    %cond3A_38 = arith.constant 0 : i32
    %cond3A_39 = arith.cmpi ne, %convert_element_type3A_37, %cond3A_38 : i32
    scf.if %cond3A_39 {
      %get3A_40 = arith.index_cast %arg1 : i32 to index
      %get3A_41 = arith.constant 0 : index
      %get3A_42 = vector.load %arg6[%get3A_40, %get3A_41] : memref<32x1024xi32, #tpu.memory_space<vmem>>, vector<1x1024xi32>
      %get3A_43 = vector.shape_cast %get3A_42 : vector<1x1024xi32> to vector<1024xi32>
      %swap3A = arith.constant 0 : index
      %swap3A_44 = arith.constant 0 : index
      %swap3A_45 = arith.constant 0 : index
      %swap3A_46 = vector.load %arg4[%swap3A, %swap3A_44, %swap3A_45] : memref<1x1x1024xi32, #tpu.memory_space<vmem>>, vector<1x1x1024xi32>
      %swap3A_47 = vector.shape_cast %swap3A_46 : vector<1x1x1024xi32> to vector<1024xi32>
      %swap3A_48 = vector.shape_cast %get3A_43 : vector<1024xi32> to vector<1x1x1024xi32>
      tpu.vector_store %arg4[%swap3A, %swap3A_44, %swap3A_45], %swap3A_48 {strides = array<i32>} : memref<1x1x1024xi32, #tpu.memory_space<vmem>>, vector<1x1x1024xi32>,
    } else {
    }
    return
  }
  func.func @transform_0(%arg0: i32, %arg1: i32) -> (i32, i32) {
    %c0_i32 = arith.constant 0 : i32
    %c0_i32_0 = arith.constant 0 : i32
    return %arg1, %c0_i32 : i32, i32
  }
  func.func @transform_1(%arg0: i32, %arg1: i32) -> (i32, i32) {
    %c0_i32 = arith.constant 0 : i32
    %c0_i32_0 = arith.constant 0 : i32
    return %arg0, %c0_i32 : i32, i32
  }
  func.func @transform_2(%arg0: i32, %arg1: i32) -> (i32, i32, i32) {
    %c0_i32 = arith.constant 0 : i32
    %c0_i32_0 = arith.constant 0 : i32
    %c0_i32_1 = arith.constant 0 : i32
    return %arg1, %c0_i32, %c0_i32_0 : i32, i32, i32
  }
}

</mosaic_0001>

<sc_bundles>
// kernel: kernel.4.cloned.1.call-start
scs
__scs_entry_jumppad:
0x0: {  	(pc) =	sbr.rel $0x88, $3  }
0x1: {  	(tag) =	ssettag $0x0;
	lr =	simm.s32 $0x1  }
0x2: {  	[smem:$0x3F9F] =	sst lr;
	_ =	strace $0xD0000000  }
0x3: {  	_ = 	snop  }
0x4: {  	_ = 	snop  }
0x5: {  	_ = 	snop  }
0x6: {  	_ = 	snop  }
0x7: {  	_ = 	snop  }
__scs_overlays_trampoline_lowered:
0x8: {  	[smem:$0x3FAE] =	sst s0  }
0x9: {  	[smem:$0x3FAF] =	sst s1  }
0xa: {  	[smem:$0x3FB0] =	sst s2  }
0xb: {  	[smem:$0x3FB1] =	sst s3  }
0xc: {  	[smem:$0x3FB2] =	sst s4  }
0xd: {  	[smem:$0x3FB3] =	sst s5  }
0xe: {  	[smem:$0x3FB4] =	sst s6  }
0xf: {  	[smem:$0x3FB5] =	sst s7  }
0x10: {  	[smem:$0x3FB6] =	sst s8  }
0x11: {  	[smem:$0x3FB7] =	sst s9;
	s0 =	simm.s32 @!p0 $0x0  }
0x12: {  	s1 =	sld [smem:$0x3F9D];
	s0 =	simm.s32 @p0 $0x1  }
0x13: {  	[smem:$0x3FB8] =	sst s0;
	s0 =	simm.s32 @!p1 $0x0  }
0x14: {  	s2 =	sld [smem:$0x3F9C];
	s0 =	simm.s32 @p1 $0x1  }
0x15: {  	[smem:$0x3FB9] =	sst s0;
	s0 =	simm.s32 @!p2 $0x0  }
0x16: {  	s3 =	sld [smem:$0x3FDB];
	s0 =	simm.s32 @p2 $0x1  }
0x17: {  	s4 =	simm.s32 $0x1BF5;
	[smem:$0x3FBB] =	sst s0  }
0x18: {  	s0 =	sld [smem:$0x3F9E];
	_ =	swait.ge [sflag:s4], $0x0  }
0x19: {  	s7 =	sld [smem:$0x3F9F]  }
0x1a: {  	s8 =	sadd.s32 $0xFFFFE003, lr  }
0x1b: {  	s9 =	sadd.s32 $0xFFFFFEF7, lr;
	s5 =	simm.s32 $0xFFFFFFFF;
	p2 =	slt.u32 s8, $0xFFFFF086  }
0x1c: {  	p1 =	slt.u32 s9, $0xF7A;
	s5 =	simm.s32 @!p2 $0x0  }
0x1d: {  	s5 =	simm.s32 @p1 $0x1;
	p0 =	seq.s32 s7, s2  }
0x1e: {  	s7 =	smul.u32 @!p0 $0xF7A, s2;
	p2 =	seq.s32 @!p0 s5, $0x0  }
0x1f: {  	s9 =	smul.u32 $0xF7A, s1;
	s8 =	simm.s32 @!p0 $0x1BF5;
	p2 =	por !p2, p0  }
0x20: {  	[sflag:s8] =	ssyncset.s32 @!p0 $0xFFFFF086;
	s6 =	sadd.s32 @!p0 s3, s7;
	s7 =	simm.s32 @!p0 $0x108  }
0x21: {  	s3 =	sadd.s32 s3, s9;
	s6 =	sadd.s32 @!p0 $0x88, s6;
	s7 =	simm.s32 @p2 $0x1082  }
0x22: {  	[simem:s7], [sflag:s8] =	dma.local @!p0 [hbm:s6], $0xF7A  }
0x23: {  	s9 =	sor.u32 $0xD0000000, s2;
	s6 =	simm.s32 $0x108;
	_ =	swait.ge @!p0 [sflag:s8], $0x0  }
0x24: {  	s3 =	sadd.s32 $0x88, s3;
	s6 =	simm.s32 @!p1 $0x1082;
	[sflag:s4] =	ssyncset.s32 $0xFFFFF086  }
0x25: {  	[simem:s6], [sflag:s4] =	dma.local [hbm:s3], $0xF7A  }
0x26: {  	[smem:$0x3F9F] =	sst s1;
	(tag) =	ssettag s2;
	_ =	strace s9  }
0x27: {  	s1 =	sld [smem:$0x3FAF]  }
0x28: {  	s2 =	sld [smem:$0x3FB0]  }
0x29: {  	s4 =	sld [smem:$0x3FB2]  }
0x2a: {  	p0 =	seq.s32 s5, $0x0;
	s5 =	sld [smem:$0x3FB3]  }
0x2b: {  	s6 =	sld [smem:$0x3FB4]  }
0x2c: {  	s7 =	sld [smem:$0x3FB5]  }
0x2d: {  	s3 =	simm.s32 $0x108;
	s8 =	sld [smem:$0x3FB6]  }
0x2e: {  	s3 =	simm.s32 @!p0 $0x1082;
	s9 =	sld [smem:$0x3FB7]  }
0x2f: {  	lr =	sadd.s32 s0, s3;
	s0 =	sld [smem:$0x3FAE]  }
0x30: {  	s3 =	sld [smem:$0x3FB1]  }
0x31: {  	[smem:$0x3FBA] =	sst s10  }
0x32: {  	s10 =	sld [smem:$0x3FB8];
	_ =	sdelay $0x3  }
0x33: {  	p0 =	seq.s32 s10, $0x1;
	s10 =	sld [smem:$0x3FBA];
	_ =	sdelay $0x3  }
0x34: {  	[smem:$0x3FBA] =	sst s10  }
0x35: {  	s10 =	sld [smem:$0x3FB9];
	_ =	sdelay $0x3  }
0x36: {  	p1 =	seq.s32 s10, $0x1;
	s10 =	sld [smem:$0x3FBA];
	_ =	sdelay $0x3  }
0x37: {  	[smem:$0x3FBA] =	sst s10  }
0x38: {  	s10 =	sld [smem:$0x3FBB]  }
0x39: {  	_ = 	snop;
	(pc) =	sbr.ind lr, $3  }
0x3a: {  	_ = 	snop  }
0x3b: {  	_ = 	snop  }
0x3c: {  	p2 =	seq.s32 s10, $0x1;
	s10 =	sld [smem:$0x3FBA]  }
0x3d: {  	_ =	shalt  }
0x3e: {  	_ =	shalt  }
0x3f: {  	_ =	shalt  }
0x40: {  	_ =	shalt  }
0x41: {  	_ =	shalt  }
0x42: {  	_ =	shalt  }
0x43: {  	_ =	shalt  }
0x44: {  	_ =	shalt  }
0x45: {  	_ =	shalt  }
0x46: {  	_ =	shalt  }
0x47: {  	_ =	shalt  }
0x48: {  	_ =	shalt  }
0x49: {  	_ =	shalt  }
0x4a: {  	_ =	shalt  }
0x4b: {  	_ =	shalt  }
0x4c: {  	_ =	shalt  }
0x4d: {  	_ =	shalt  }
0x4e: {  	_ =	shalt  }
0x4f: {  	_ =	shalt  }
0x50: {  	_ =	shalt  }
0x51: {  	_ =	shalt  }
0x52: {  	_ =	shalt  }
0x53: {  	_ =	shalt  }
0x54: {  	_ =	shalt  }
0x55: {  	_ =	shalt  }
0x56: {  	_ =	shalt  }
0x57: {  	_ =	shalt  }
0x58: {  	_ =	shalt  }
0x59: {  	_ =	shalt  }
0x5a: {  	_ =	shalt  }
0x5b: {  	_ =	shalt  }
0x5c: {  	_ =	shalt  }
0x5d: {  	_ =	shalt  }
0x5e: {  	_ =	shalt  }
0x5f: {  	_ =	shalt  }
0x60: {  	_ =	shalt  }
0x61: {  	_ =	shalt  }
0x62: {  	_ =	shalt  }
0x63: {  	_ =	shalt  }
0x64: {  	_ =	shalt  }
0x65: {  	_ =	shalt  }
0x66: {  	_ =	shalt  }
0x67: {  	_ =	shalt  }
0x68: {  	_ =	shalt  }
0x69: {  	_ =	shalt  }
0x6a: {  	_ =	shalt  }
0x6b: {  	_ =	shalt  }
0x6c: {  	_ =	shalt  }
0x6d: {  	_ =	shalt  }
0x6e: {  	_ =	shalt  }
0x6f: {  	_ =	shalt  }
0x70: {  	_ =	shalt  }
0x71: {  	_ =	shalt  }
0x72: {  	_ =	shalt  }
0x73: {  	_ =	shalt  }
0x74: {  	_ =	shalt  }
0x75: {  	_ =	shalt  }
0x76: {  	_ =	shalt  }
0x77: {  	_ =	shalt  }
0x78: {  	_ =	shalt  }
0x79: {  	_ =	shalt  }
0x7a: {  	_ =	shalt  }
0x7b: {  	_ =	shalt  }
0x7c: {  	_ =	shalt  }
0x7d: {  	_ =	shalt  }
0x7e: {  	_ =	shalt  }
0x7f: {  	_ =	shalt  }
0x80: {  	_ =	shalt  }
0x81: {  	_ =	shalt  }
0x82: {  	_ =	shalt  }
0x83: {  	_ =	shalt  }
0x84: {  	_ =	shalt  }
0x85: {  	_ =	shalt  }
0x86: {  	_ =	shalt  }
0x87: {  	_ =	shalt  }
.Lfunc_end0:
.L_simem_size_0:
called_computation_lowered:
.L_overlay_start_0:
0x88: {  	s2 =	sld [smem:$0x3FD9]  }
0x89: {  	s3 =	sld [smem:$0x3FFE];
	_ =	sdelay $0x1  }
0x8a: {  	s1 =	srdreg.scid  }
0x8b: {  	s0 =	sand.u32 $0x1, s1  }
0x8c: {  	s14 =	sshll.u32 s0, $0xA;
	s2 =	sadd.s32 s3, s2  }
0x8d: {  	s2 =	sadd.s32 s2, s14  }
0x8e: {  	[smem:$0x3FC6] =	sst s2  }
0x8f: {  	_ = 	snop  }
0x90: {  	s2 =	sld [smem:$0x3FD0];
	_ =	sdelay $0x2  }
0x91: {  	s4 =	simm.s32 $0xA;
	s5 =	simm.s32 $0x10;
	s15 =	sld [smem:$0x3FC9]  }
0x92: {  	[smem:s5], [sflag:s4] =	dma.local [hbm:s2], $0x1  }
0x93: {  	_ =	swait.eq [sflag:s4], $0x1  }
0x94: {  	[sflag:s4] =	ssyncset.done $0x0  }
0x95: {  	s16 =	sld [smem:$0x11];
	[sflag:s4] =	ssyncadd.s32 $0xFFFFFFFF  }
0x96: {  	s17 =	sld [smem:$0x12];
	(tm) =	ssettm $0x1  }
0x97: {  	s18 =	sld [smem:$0x3FFB];
	_ =	sdelay $0x3  }
0x98: {  	_ =	strace s18  }
0x99: {  	s5 =	sld [smem:$0x3FFC];
	_ =	sdelay $0x3  }
0x9a: {  	_ =	strace s5  }
0x9b: {  	s5 =	sld [smem:$0x3FFD];
	_ =	sdelay $0x3  }
0x9c: {  	_ =	strace s5  }
0x9d: {  	_ =	strace $0x8FFFFFFF  }
0x9e: {  	s19 =	sld [smem:$0x3FDB];
	_ =	sdelay $0x1  }
0x9f: {  	s6 =	simm.s32 $_scs_section_size  }
0xa0: {  	s7 =	simm.s32 $_size__tile_overlayer_lowered;
	s8 =	simm.s32 $_tile_overlayer_lowered  }
0xa1: {  	s22 =	simm.s32 $0x1BFF;
	s21 =	sshll.u32 s8, $0x1;
	s5 =	sadd.s32 s6, s19  }
0xa2: {  	s9 =	simm.s32 $0x0;
	s20 =	sshll.u32 s7, $0x1;
	s7 =	sadd.s32 s21, s5  }
0xa3: {  	[timem:s9], [sflag:s22] =	dma.local [hbm:s7], s20  }
0xa4: {  	_ =	swait.ge [sflag:s22], s20  }
0xa5: {  	s6 =	ssub.s32 $0x0, s20;
	[sflag:s22] =	ssyncset.done $0x0  }
0xa6: {  	[sflag:s22] =	ssyncadd.s32 s6;
	_ =	sdelay $0x1  }
0xa7: {  	s23 =	simm.s32 $0x1B8B  }
0xa8: {  	_ =	swait.ge [sflag:s23], $0x1  }
0xa9: {  	[sflag:s23] =	ssyncset.done $0x0  }
0xaa: {  	s25 =	simm.s32 $0x1B8E;
	s24 =	sld [smem:$0x3FFE];
	[sflag:s23] =	ssyncadd.s32 $0xFFFFFFFF  }
0xab: {  	s26 =	simm.s32 $execute0_lowered;
	[smem:$0x3FD2] =	sst s25  }
0xac: {  	s7 =	sshll.u32 s26, $0x1;
	_ =	strace $0x80000046;
	[dreg:$0x1] =	wrdreg $0xFFFFFFFF  }
0xad: {  	s28 =	simm.s32 $_size_execute0_lowered;
	s5 =	sadd.s32 s5, s7;
	[dreg:$0x0] =	wrdreg $0x0  }
0xae: {  	s7 =	sshll.u32 s28, $0x1;
	[dreg:$0x2] =	wrdreg s5  }
0xaf: {  	[dreg:$0x3] =	wrdreg s7  }
0xb0: {  	[dreg:$0x4] =	wrdreg $0xC0  }
0xb1: {  	_ =	task [dreg:s9], $0x5FFFF  }
0xb2: {  	[dreg:$0x1] =	wrdreg $0xFFFFFFFF  }
0xb3: {  	[dreg:$0x0] =	wrdreg $0x60  }
0xb4: {  	[dreg:$0x2] =	wrdreg s15  }
0xb5: {  	[dreg:$0x3] =	wrdreg s24  }
0xb6: {  	[dreg:$0x4] =	wrdreg s16  }
0xb7: {  	[dreg:$0x5] =	wrdreg s17  }
0xb8: {  	[dreg:$0x6] =	wrdreg $0x48800  }
0xb9: {  	[dreg:$0x7] =	wrdreg $0x148800  }
0xba: {  	[dreg:$0x8] =	wrdreg $0x9  }
0xbb: {  	_ =	task.clear_ibuf [dreg:s9], $0x9FFFF;
	_ =	strace $0x90000046  }
0xbc: {  	s29 =	simm.s32 $0x9;
	_ =	strace $0x80000048  }
0xbd: {  	_ =	swait.ge [sflag:s29], $0x1  }
0xbe: {  	[sflag:s29] =	ssyncadd.s32 $0xFFFFFFFF  }
0xbf: {  	_ =	strace $0x90000048  }
0xc0: {  	_ =	sfence  }
0xc1: {  	s30 =	sld [smem:$0x0];
	_ =	sdelay $0x2  }
0xc2: {  	s31 =	sshll.u32 s1, $0xD;
	s1 =	sshrl.u32 s1, $0x2  }
0xc3: {  	s3 =	sand.u32 $0x4000, s31;
	s1 =	sadd.s32 s1, s30  }
0xc4: {  	s0 =	sor.u32 s3, s0;
	s1 =	sshll.u32 s1, $0x11  }
0xc5: {  	s0 =	sor.u32 s1, s0  }
0xc6: {  	s0 =	sadd.s32 $0x8F2B, s0  }
0xc7: {  	[sflag:s0] =	ssyncadd.remote.s32 $0x1  }
0xc8: {  	_ =	sfence.sel $0xFFFF  }
0xc9: {  	[dreg:$0x0] =	wrdreg $0xFFFFFFFF;
	(pc) =	sbr.abs _section_cstart, $3  }
0xca: {  	[dreg:$0x1] =	wrdreg $0xFFFFFFFF  }
0xcb: {  	_ =	task.clear_ibuf [dreg:s9], $0x2FFFF;
	_ =	strace $0x9FFFFFFF  }
0xcc: {  	(tm) =	ssettm $0x7FFFFFFF  }
0xcd: {  	_ =	shalt  }
tec
execute0_lowered:
.L_overlay_start_1:
0x0: {  	(tag) =	ssettag $0x1  }
0x1: {  	s5 =	rddreg [dreg:$0x0]  }
0x2: {  	s1 =	rddreg [dreg:$0x1]  }
0x3: {  	s6 =	rddreg [dreg:$0x2]  }
0x4: {  	s7 =	rddreg [dreg:$0x3]  }
0x5: {  	s2 =	rddreg [dreg:$0x4]  }
0x6: {  	s3 =	rddreg [dreg:$0x5];
	s4 =	simm.s32 $0x0;
	s12 =	stileid.u32  }
0x7: {  	s10 =	srdreg.scid;
	[smem:$0x7FF] =	sst s4  }
0x8: {  	s0 =	sshll.u32 s12, $0x8;
	s9 =	sshll.u32 s12, $0xD;
	s21 =	sand.u32 $0x1, s10  }
0x9: {  	s17 =	sshll.u32 s12, $0x9;
	_ =	strace $0x80000047;
	s8 =	sadd.s32 s0, s1  }
0xa: {  	s0 =	sshll.u32 s12, $0x6;
	s9 =	sadd.s32 s9, s1;
	s18 =	sadd.s32 s17, s3  }
0xb: {  	s19 =	sshll.u32 s21, $0x7;
	s9 =	sadd.s32 $0x1E00, s9;
	[dreg:$0x8] =	wrdreg s18  }
0xc: {  	s11 =	sadd.s32 s0, s1;
	s8 =	sadd.s32 $0xE00, s8;
	[dreg:$0x7] =	wrdreg s9  }
0xd: {  	s1 =	sshll.u32 s12, $0x10;
	s7 =	sadd.s32 s7, s0;
	[dreg:$0xa] =	wrdreg s8  }
0xe: {  	s20 =	sadd.s32 $0x21E00, s11;
	s10 =	sor.u32 s19, s1;
	[dreg:$0x1b] =	wrdreg s7  }
0xf: {  	s19 =	sshll.u32 s12, $0xE;
	s8 =	simm.s32 $0x300;
	[dreg:$0x9] =	wrdreg s20  }
0x10: {  	s12 =	simm.s32 $0x580;
	s5 =	sadd.s32 s5, s10;
	[smem:$0x7F5] =	sst s8  }
0x11: {  	[smem:$0x7F9] =	sst s12;
	s22 =	sadd.s32 $0x1000, s5  }
0x12: {  	s23 =	sadd.s32 $0x2000, s5;
	[dreg:$0xb] =	wrdreg s22  }
0x13: {  	s24 =	sadd.s32 $0x3000, s5;
	[dreg:$0xc] =	wrdreg s23  }
0x14: {  	s25 =	sadd.s32 $0x4000, s5;
	[dreg:$0xd] =	wrdreg s24  }
0x15: {  	s26 =	sadd.s32 $0x5000, s5;
	[dreg:$0xe] =	wrdreg s25  }
0x16: {  	s9 =	sadd.s32 $0x6000, s5;
	[dreg:$0xf] =	wrdreg s26  }
0x17: {  	s10 =	sadd.s32 $0x7000, s5;
	[dreg:$0x10] =	wrdreg s9  }
0x18: {  	s11 =	sadd.s32 $0x8000, s5;
	[dreg:$0x11] =	wrdreg s10  }
0x19: {  	s13 =	sadd.s32 $0x9000, s5;
	[dreg:$0x12] =	wrdreg s11  }
0x1a: {  	s14 =	sadd.s32 $0xA000, s5;
	[dreg:$0x13] =	wrdreg s13  }
0x1b: {  	s15 =	sadd.s32 $0xB000, s5;
	[dreg:$0x14] =	wrdreg s14  }
0x1c: {  	s16 =	sadd.s32 $0xC000, s5;
	[dreg:$0x15] =	wrdreg s15  }
0x1d: {  	s17 =	sadd.s32 $0xD000, s5;
	[dreg:$0x16] =	wrdreg s16  }
0x1e: {  	s18 =	sadd.s32 $0xE000, s5;
	[dreg:$0x17] =	wrdreg s17  }
0x1f: {  	s20 =	sadd.s32 $0xF000, s5;
	[dreg:$0x18] =	wrdreg s18  }
0x20: {  	s6 =	sadd.s32 s6, s19;
	[dreg:$0x19] =	wrdreg s20  }
0x21: {  	s22 =	sadd.s32 $0x80, s6;
	s16 =	rddreg [dreg:$0x7]  }
0x22: {  	s23 =	simm.s32 $0x100;
	[dreg:$0x1a] =	wrdreg s22  }
0x23: {  	s24 =	simm.s32 $0x180;
	[dreg:$0x1c] =	wrdreg s23  }
0x24: {  	s25 =	simm.s32 $0x200;
	[dreg:$0x1d] =	wrdreg s24  }
0x25: {  	s26 =	simm.s32 $0x280;
	[dreg:$0x1e] =	wrdreg s25  }
0x26: {  	s9 =	simm.s32 $0x380;
	[dreg:$0x1f] =	wrdreg s26  }
0x27: {  	s10 =	simm.s32 $0x480;
	[smem:$0x7F6] =	sst s9  }
0x28: {  	s11 =	simm.s32 $0x500;
	[smem:$0x7F7] =	sst s10  }
0x29: {  	s13 =	simm.s32 $0x600;
	[smem:$0x7F8] =	sst s11  }
0x2a: {  	s14 =	simm.s32 $0x680;
	[smem:$0x7FA] =	sst s13  }
0x2b: {  	s7 =	sor.u32 $0x1C01, s0;
	s15 =	simm.s32 $0x700;
	[smem:$0x7FB] =	sst s14  }
0x2c: {  	s17 =	simm.s32 $0x780;
	s23 =	sadd.s32 s1, s2;
	[smem:$0x7FC] =	sst s15  }
0x2d: {  	s9 =	simm.s32 $0x1;
	[smem:$0x7FD] =	sst s17;
	s10 =	sshrl.u32 s23, $0x3  }
0x2e: {  	[spmem:s10], [sflag:s7] =	dma.local [hbm:s16], $0x2000  }
0x2f: {  	p0 =	sne.s32 s21, $0x0;
	_ =	swait.ge [sflag:s9], $0x2000  }
0x30: {  	s8 =	simm.s32 @!p0 $0x1;
	s0 =	rddreg [dreg:$0x8];
	[sflag:s9] =	ssyncset.done $0x0  }
0x31: {  	s1 =	rddreg [dreg:$0x9];
	[sflag:s9] =	ssyncadd.s32 $0xFFFFE000;
	s11 =	sshrl.u32 @!p0 s0, $0x3  }
0x32: {  	[spmem:s11], [sflag:s7] =	dma.local @!p0 [hbm:s1], $0x40  }
0x33: {  	_ =	swait.ge @!p0 [sflag:s8], $0x40  }
0x34: {  	[sflag:s8] =	ssyncset.done @!p0 $0x0  }
0x35: {  	s18 =	rddreg [dreg:$0xa];
	[sflag:s8] =	ssyncadd.s32 @!p0 $0xFFFFFFC0  }
0x36: {  	[tilespmem:s4], [sflag:$0x1] =	stream.linear.gather [hbm4b:s18+s4], $0x800, $0x38;
	[tilespmem:$0x14A80] =	vst v63  }
0x37: {  	_ =	swait.ge [sflag:s9], $0x800  }
0x38: {  	[sflag:s9] =	ssyncset.done $0x0  }
0x39: {  	v0 =	vimm.f32 $1.000000000e+00;
	[sflag:s9] =	ssyncadd.s32 $0xFFFFF800  }
0x3a: {  	[tilespmem:$0x4870] =	vst v0  }
0x3b: {  	[tilespmem:$0x4860] =	vst v0  }
0x3c: {  	[tilespmem:$0x4850] =	vst v0  }
0x3d: {  	[tilespmem:$0x4840] =	vst v0  }
0x3e: {  	[tilespmem:$0x4830] =	vst v0  }
0x3f: {  	[tilespmem:$0x4820] =	vst v0  }
0x40: {  	[tilespmem:$0x4800] =	vst v0  }
0x41: {  	[tilespmem:$0x4810] =	vst v0  }
0x42: {  	s12 =	simm.s32 $0x400;
	s13 =	simm.s32 $0x800;
	[bflag:$0x0] =	sbarrier.arrive $0xFFFF  }
0x43: {  	[tilespmem:s13], [sflag:$0x1] =	stream.strided.gather [hbm4b:s5+s12], $0x4000, s13, s12, $0x38;
	[tilespmem:$0x14A80] =	vst v63  }
0x44: {  	_ =	swait.ge [sflag:s9], $0x4000  }
0x45: {  	[sflag:s9] =	ssyncset.done $0x0  }
0x46: {  	s14 =	simm.s32 $0x80;
	[sflag:s9] =	ssyncadd.s32 $0xFFFFC000  }
0x47: {  	[spmem:s2] =	stream.indirect.scatter.add.f32 [tilespmem:s13], [sflag:$0x1], $0x80, s4, s14, $0xb8;
	[tilespmem:$0x14A80] =	vst v63  }
0x48: {  	_ =	swait.ge [sflag:s9], $0x4000  }
0x49: {  	s15 =	simm.s32 @!p0 $0x4800;
	[sflag:s9] =	ssyncset.done $0x0  }
0x4a: {  	s16 =	simm.s32 @!p0 $0x80;
	s0 =	simm.s32 @!p0 $0x0;
	[sflag:s9] =	ssyncadd.s32 $0xFFFFC000  }
0x4b: {  	[spmem:s3] =	stream.indirect.scatter.add.f32 @!p0 [tilespmem:s15], [sflag:$0x1], $0x1, s0, s16, $0xb8;
	[tilespmem:$0x14A80] =	vst v63  }
0x4c: {  	_ =	swait.ge @!p0 [sflag:s8], $0x80  }
0x4d: {  	[sflag:s8] =	ssyncset.done @!p0 $0x0  }
0x4e: {  	s19 =	rddreg [dreg:$0xb];
	[sflag:s8] =	ssyncadd.s32 @!p0 $0xFFFFFF80  }
0x4f: {  	[tilespmem:s13], [sflag:$0x1] =	stream.strided.gather [hbm4b:s19+s12], $0x4000, s13, s12, $0x38;
	[tilespmem:$0x14A80] =	vst v63  }
0x50: {  	_ =	swait.ge [sflag:s9], $0x4000  }
0x51: {  	[sflag:s9] =	ssyncset.done $0x0  }
0x52: {  	[sflag:s9] =	ssyncadd.s32 $0xFFFFC000  }
0x53: {  	[spmem:s2] =	stream.indirect.scatter.add.f32 [tilespmem:s13], [sflag:$0x1], $0x80, s14, s14, $0xb8;
	[tilespmem:$0x14A80] =	vst v63  }
0x54: {  	_ =	swait.ge [sflag:s9], $0x4000  }
0x55: {  	[sflag:s9] =	ssyncset.done $0x0  }
0x56: {  	[sflag:s9] =	ssyncadd.s32 $0xFFFFC000  }
0x57: {  	[spmem:s3] =	stream.indirect.scatter.add.f32 @!p0 [tilespmem:s15], [sflag:$0x1], $0x1, s16, s16, $0xb8;
	[tilespmem:$0x14A80] =	vst v63  }
0x58: {  	_ =	swait.ge @!p0 [sflag:s8], $0x80  }
0x59: {  	[sflag:s8] =	ssyncset.done @!p0 $0x0  }
0x5a: {  	s20 =	rddreg [dreg:$0xc];
	[sflag:s8] =	ssyncadd.s32 @!p0 $0xFFFFFF80  }
0x5b: {  	[tilespmem:s13], [sflag:$0x1] =	stream.strided.gather [hbm4b:s20+s12], $0x4000, s13, s12, $0x38;
	[tilespmem:$0x14A80] =	vst v63  }
0x5c: {  	_ =	swait.ge [sflag:s9], $0x4000  }
0x5d: {  	[sflag:s9] =	ssyncset.done $0x0  }
0x5e: {  	s22 =	rddreg [dreg:$0x1c];
	[sflag:s9] =	ssyncadd.s32 $0xFFFFC000  }
0x5f: {  	[spmem:s2] =	stream.indirect.scatter.add.f32 [tilespmem:s13], [sflag:$0x1], $0x80, s22, s14, $0xb8;
	[tilespmem:$0x14A80] =	vst v63  }
0x60: {  	_ =	swait.ge [sflag:s9], $0x4000  }
0x61: {  	[sflag:s9] =	ssyncset.done $0x0  }
0x62: {  	s18 =	simm.s32 @!p0 $0x100;
	[sflag:s9] =	ssyncadd.s32 $0xFFFFC000  }
0x63: {  	[spmem:s3] =	stream.indirect.scatter.add.f32 @!p0 [tilespmem:s15], [sflag:$0x1], $0x1, s18, s16, $0xb8;
	[tilespmem:$0x14A80] =	vst v63  }
0x64: {  	_ =	swait.ge @!p0 [sflag:s8], $0x80  }
0x65: {  	[sflag:s8] =	ssyncset.done @!p0 $0x0  }
0x66: {  	s24 =	rddreg [dreg:$0xd];
	[sflag:s8] =	ssyncadd.s32 @!p0 $0xFFFFFF80  }
0x67: {  	[tilespmem:s13], [sflag:$0x1] =	stream.strided.gather [hbm4b:s24+s12], $0x4000, s13, s12, $0x38;
	[tilespmem:$0x14A80] =	vst v63  }
0x68: {  	_ =	swait.ge [sflag:s9], $0x4000  }
0x69: {  	[sflag:s9] =	ssyncset.done $0x0  }
0x6a: {  	s25 =	rddreg [dreg:$0x1d];
	[sflag:s9] =	ssyncadd.s32 $0xFFFFC000  }
0x6b: {  	[spmem:s2] =	stream.indirect.scatter.add.f32 [tilespmem:s13], [sflag:$0x1], $0x80, s25, s14, $0xb8;
	[tilespmem:$0x14A80] =	vst v63  }
0x6c: {  	_ =	swait.ge [sflag:s9], $0x4000  }
0x6d: {  	[sflag:s9] =	ssyncset.done $0x0  }
0x6e: {  	s0 =	simm.s32 @!p0 $0x180;
	[sflag:s9] =	ssyncadd.s32 $0xFFFFC000  }
0x6f: {  	[spmem:s3] =	stream.indirect.scatter.add.f32 @!p0 [tilespmem:s15], [sflag:$0x1], $0x1, s0, s16, $0xb8;
	[tilespmem:$0x14A80] =	vst v63  }
0x70: {  	_ =	swait.ge @!p0 [sflag:s8], $0x80  }
0x71: {  	[sflag:s8] =	ssyncset.done @!p0 $0x0  }
0x72: {  	s26 =	rddreg [dreg:$0xe];
	[sflag:s8] =	ssyncadd.s32 @!p0 $0xFFFFFF80  }
0x73: {  	[tilespmem:s13], [sflag:$0x1] =	stream.strided.gather [hbm4b:s26+s12], $0x4000, s13, s12, $0x38;
	[tilespmem:$0x14A80] =	vst v63  }
0x74: {  	_ =	swait.ge [sflag:s9], $0x4000  }
0x75: {  	[sflag:s9] =	ssyncset.done $0x0  }
0x76: {  	s1 =	rddreg [dreg:$0x1e];
	[sflag:s9] =	ssyncadd.s32 $0xFFFFC000  }
0x77: {  	[spmem:s2] =	stream.indirect.scatter.add.f32 [tilespmem:s13], [sflag:$0x1], $0x80, s1, s14, $0xb8;
	[tilespmem:$0x14A80] =	vst v63  }
0x78: {  	_ =	swait.ge [sflag:s9], $0x4000  }
0x79: {  	[sflag:s9] =	ssyncset.done $0x0  }
0x7a: {  	s0 =	simm.s32 @!p0 $0x200;
	[sflag:s9] =	ssyncadd.s32 $0xFFFFC000  }
0x7b: {  	[spmem:s3] =	stream.indirect.scatter.add.f32 @!p0 [tilespmem:s15], [sflag:$0x1], $0x1, s0, s16, $0xb8;
	[tilespmem:$0x14A80] =	vst v63  }
0x7c: {  	_ =	swait.ge @!p0 [sflag:s8], $0x80  }
0x7d: {  	[sflag:s8] =	ssyncset.done @!p0 $0x0  }
0x7e: {  	s17 =	rddreg [dreg:$0xf];
	[sflag:s8] =	ssyncadd.s32 @!p0 $0xFFFFFF80  }
0x7f: {  	[tilespmem:s13], [sflag:$0x1] =	stream.strided.gather [hbm4b:s17+s12], $0x4000, s13, s12, $0x38;
	[tilespmem:$0x14A80] =	vst v63  }
0x80: {  	_ =	swait.ge [sflag:s9], $0x4000  }
0x81: {  	[sflag:s9] =	ssyncset.done $0x0  }
0x82: {  	s19 =	rddreg [dreg:$0x1f];
	[sflag:s9] =	ssyncadd.s32 $0xFFFFC000  }
0x83: {  	[spmem:s2] =	stream.indirect.scatter.add.f32 [tilespmem:s13], [sflag:$0x1], $0x80, s19, s14, $0xb8;
	[tilespmem:$0x14A80] =	vst v63  }
0x84: {  	_ =	swait.ge [sflag:s9], $0x4000  }
0x85: {  	[sflag:s9] =	ssyncset.done $0x0  }
0x86: {  	s0 =	simm.s32 @!p0 $0x280;
	[sflag:s9] =	ssyncadd.s32 $0xFFFFC000  }
0x87: {  	[spmem:s3] =	stream.indirect.scatter.add.f32 @!p0 [tilespmem:s15], [sflag:$0x1], $0x1, s0, s16, $0xb8;
	[tilespmem:$0x14A80] =	vst v63  }
0x88: {  	_ =	swait.ge @!p0 [sflag:s8], $0x80  }
0x89: {  	[sflag:s8] =	ssyncset.done @!p0 $0x0  }
0x8a: {  	s20 =	rddreg [dreg:$0x10];
	[sflag:s8] =	ssyncadd.s32 @!p0 $0xFFFFFF80  }
0x8b: {  	[tilespmem:s13], [sflag:$0x1] =	stream.strided.gather [hbm4b:s20+s12], $0x4000, s13, s12, $0x38;
	[tilespmem:$0x14A80] =	vst v63  }
0x8c: {  	_ =	swait.ge [sflag:s9], $0x4000  }
0x8d: {  	s22 =	sld [smem:$0x7F5]  }
0x8e: {  	[sflag:s9] =	ssyncset.done $0x0  }
0x8f: {  	[sflag:s9] =	ssyncadd.s32 $0xFFFFC000  }
0x90: {  	[spmem:s2] =	stream.indirect.scatter.add.f32 [tilespmem:s13], [sflag:$0x1], $0x80, s22, s14, $0xb8;
	[tilespmem:$0x14A80] =	vst v63  }
0x91: {  	_ =	swait.ge [sflag:s9], $0x4000  }
0x92: {  	[sflag:s9] =	ssyncset.done $0x0  }
0x93: {  	s0 =	simm.s32 @!p0 $0x300;
	[sflag:s9] =	ssyncadd.s32 $0xFFFFC000  }
0x94: {  	[spmem:s3] =	stream.indirect.scatter.add.f32 @!p0 [tilespmem:s15], [sflag:$0x1], $0x1, s0, s16, $0xb8;
	[tilespmem:$0x14A80] =	vst v63  }
0x95: {  	_ =	swait.ge @!p0 [sflag:s8], $0x80  }
0x96: {  	[sflag:s8] =	ssyncset.done @!p0 $0x0  }
0x97: {  	s24 =	rddreg [dreg:$0x11];
	[sflag:s8] =	ssyncadd.s32 @!p0 $0xFFFFFF80  }
0x98: {  	[tilespmem:s13], [sflag:$0x1] =	stream.strided.gather [hbm4b:s24+s12], $0x4000, s13, s12, $0x38;
	[tilespmem:$0x14A80] =	vst v63  }
0x99: {  	_ =	swait.ge [sflag:s9], $0x4000  }
0x9a: {  	s25 =	sld [smem:$0x7F6]  }
0x9b: {  	[sflag:s9] =	ssyncset.done $0x0  }
0x9c: {  	[sflag:s9] =	ssyncadd.s32 $0xFFFFC000  }
0x9d: {  	[spmem:s2] =	stream.indirect.scatter.add.f32 [tilespmem:s13], [sflag:$0x1], $0x80, s25, s14, $0xb8;
	[tilespmem:$0x14A80] =	vst v63  }
0x9e: {  	_ =	swait.ge [sflag:s9], $0x4000  }
0x9f: {  	[sflag:s9] =	ssyncset.done $0x0  }
0xa0: {  	s0 =	simm.s32 @!p0 $0x380;
	[sflag:s9] =	ssyncadd.s32 $0xFFFFC000  }
0xa1: {  	[spmem:s3] =	stream.indirect.scatter.add.f32 @!p0 [tilespmem:s15], [sflag:$0x1], $0x1, s0, s16, $0xb8;
	[tilespmem:$0x14A80] =	vst v63  }
0xa2: {  	_ =	swait.ge @!p0 [sflag:s8], $0x80  }
0xa3: {  	[sflag:s8] =	ssyncset.done @!p0 $0x0  }
0xa4: {  	s26 =	rddreg [dreg:$0x12];
	[sflag:s8] =	ssyncadd.s32 @!p0 $0xFFFFFF80  }
0xa5: {  	[tilespmem:s13], [sflag:$0x1] =	stream.strided.gather [hbm4b:s26+s12], $0x4000, s13, s12, $0x38;
	[tilespmem:$0x14A80] =	vst v63  }
0xa6: {  	_ =	swait.ge [sflag:s9], $0x4000  }
0xa7: {  	[sflag:s9] =	ssyncset.done $0x0  }
0xa8: {  	[sflag:s9] =	ssyncadd.s32 $0xFFFFC000  }
0xa9: {  	[spmem:s2] =	stream.indirect.scatter.add.f32 [tilespmem:s13], [sflag:$0x1], $0x80, s12, s14, $0xb8;
	[tilespmem:$0x14A80] =	vst v63  }
0xaa: {  	_ =	swait.ge [sflag:s9], $0x4000  }
0xab: {  	[sflag:s9] =	ssyncset.done $0x0  }
0xac: {  	s0 =	simm.s32 @!p0 $0x400;
	[sflag:s9] =	ssyncadd.s32 $0xFFFFC000  }
0xad: {  	[spmem:s3] =	stream.indirect.scatter.add.f32 @!p0 [tilespmem:s15], [sflag:$0x1], $0x1, s0, s16, $0xb8;
	[tilespmem:$0x14A80] =	vst v63  }
0xae: {  	_ =	swait.ge @!p0 [sflag:s8], $0x80  }
0xaf: {  	[sflag:s8] =	ssyncset.done @!p0 $0x0  }
0xb0: {  	s1 =	rddreg [dreg:$0x13];
	[sflag:s8] =	ssyncadd.s32 @!p0 $0xFFFFFF80  }
0xb1: {  	[tilespmem:s13], [sflag:$0x1] =	stream.strided.gather [hbm4b:s1+s12], $0x4000, s13, s12, $0x38;
	[tilespmem:$0x14A80] =	vst v63  }
0xb2: {  	_ =	swait.ge [sflag:s9], $0x4000  }
0xb3: {  	s17 =	sld [smem:$0x7F7]  }
0xb4: {  	[sflag:s9] =	ssyncset.done $0x0  }
0xb5: {  	[sflag:s9] =	ssyncadd.s32 $0xFFFFC000  }
0xb6: {  	[spmem:s2] =	stream.indirect.scatter.add.f32 [tilespmem:s13], [sflag:$0x1], $0x80, s17, s14, $0xb8;
	[tilespmem:$0x14A80] =	vst v63  }
0xb7: {  	_ =	swait.ge [sflag:s9], $0x4000  }
0xb8: {  	[sflag:s9] =	ssyncset.done $0x0  }
0xb9: {  	s0 =	simm.s32 @!p0 $0x480;
	[sflag:s9] =	ssyncadd.s32 $0xFFFFC000  }
0xba: {  	[spmem:s3] =	stream.indirect.scatter.add.f32 @!p0 [tilespmem:s15], [sflag:$0x1], $0x1, s0, s16, $0xb8;
	[tilespmem:$0x14A80] =	vst v63  }
0xbb: {  	_ =	swait.ge @!p0 [sflag:s8], $0x80  }
0xbc: {  	[sflag:s8] =	ssyncset.done @!p0 $0x0  }
0xbd: {  	s19 =	rddreg [dreg:$0x14];
	[sflag:s8] =	ssyncadd.s32 @!p0 $0xFFFFFF80  }
0xbe: {  	[tilespmem:s13], [sflag:$0x1] =	stream.strided.gather [hbm4b:s19+s12], $0x4000, s13, s12, $0x38;
	[tilespmem:$0x14A80] =	vst v63  }
0xbf: {  	_ =	swait.ge [sflag:s9], $0x4000  }
0xc0: {  	s20 =	sld [smem:$0x7F8]  }
0xc1: {  	[sflag:s9] =	ssyncset.done $0x0  }
0xc2: {  	[sflag:s9] =	ssyncadd.s32 $0xFFFFC000  }
0xc3: {  	[spmem:s2] =	stream.indirect.scatter.add.f32 [tilespmem:s13], [sflag:$0x1], $0x80, s20, s14, $0xb8;
	[tilespmem:$0x14A80] =	vst v63  }
0xc4: {  	_ =	swait.ge [sflag:s9], $0x4000  }
0xc5: {  	[sflag:s9] =	ssyncset.done $0x0  }
0xc6: {  	s26 =	simm.s32 @!p0 $0x500;
	[sflag:s9] =	ssyncadd.s32 $0xFFFFC000  }
0xc7: {  	[spmem:s3] =	stream.indirect.scatter.add.f32 @!p0 [tilespmem:s15], [sflag:$0x1], $0x1, s26, s16, $0xb8;
	[tilespmem:$0x14A80] =	vst v63  }
0xc8: {  	_ =	swait.ge @!p0 [sflag:s8], $0x80  }
0xc9: {  	[sflag:s8] =	ssyncset.done @!p0 $0x0  }
0xca: {  	s22 =	rddreg [dreg:$0x15];
	[sflag:s8] =	ssyncadd.s32 @!p0 $0xFFFFFF80  }
0xcb: {  	[tilespmem:s13], [sflag:$0x1] =	stream.strided.gather [hbm4b:s22+s12], $0x4000, s13, s12, $0x38;
	[tilespmem:$0x14A80] =	vst v63  }
0xcc: {  	_ =	swait.ge [sflag:s9], $0x4000  }
0xcd: {  	s24 =	sld [smem:$0x7F9]  }
0xce: {  	[sflag:s9] =	ssyncset.done $0x0  }
0xcf: {  	[sflag:s9] =	ssyncadd.s32 $0xFFFFC000  }
0xd0: {  	[spmem:s2] =	stream.indirect.scatter.add.f32 [tilespmem:s13], [sflag:$0x1], $0x80, s24, s14, $0xb8;
	[tilespmem:$0x14A80] =	vst v63  }
0xd1: {  	_ =	swait.ge [sflag:s9], $0x4000  }
0xd2: {  	[sflag:s9] =	ssyncset.done $0x0  }
0xd3: {  	s28 =	simm.s32 @!p0 $0x580;
	[sflag:s9] =	ssyncadd.s32 $0xFFFFC000  }
0xd4: {  	[spmem:s3] =	stream.indirect.scatter.add.f32 @!p0 [tilespmem:s15], [sflag:$0x1], $0x1, s28, s16, $0xb8;
	[tilespmem:$0x14A80] =	vst v63  }
0xd5: {  	_ =	swait.ge @!p0 [sflag:s8], $0x80  }
0xd6: {  	[sflag:s8] =	ssyncset.done @!p0 $0x0  }
0xd7: {  	s25 =	rddreg [dreg:$0x16];
	[sflag:s8] =	ssyncadd.s32 @!p0 $0xFFFFFF80  }
0xd8: {  	[tilespmem:s13], [sflag:$0x1] =	stream.strided.gather [hbm4b:s25+s12], $0x4000, s13, s12, $0x38;
	[tilespmem:$0x14A80] =	vst v63  }
0xd9: {  	_ =	swait.ge [sflag:s9], $0x4000  }
0xda: {  	s1 =	sld [smem:$0x7FA]  }
0xdb: {  	[sflag:s9] =	ssyncset.done $0x0  }
0xdc: {  	[sflag:s9] =	ssyncadd.s32 $0xFFFFC000  }
0xdd: {  	[spmem:s2] =	stream.indirect.scatter.add.f32 [tilespmem:s13], [sflag:$0x1], $0x80, s1, s14, $0xb8;
	[tilespmem:$0x14A80] =	vst v63  }
0xde: {  	_ =	swait.ge [sflag:s9], $0x4000  }
0xdf: {  	[sflag:s9] =	ssyncset.done $0x0  }
0xe0: {  	s29 =	simm.s32 @!p0 $0x600;
	[sflag:s9] =	ssyncadd.s32 $0xFFFFC000  }
0xe1: {  	[spmem:s3] =	stream.indirect.scatter.add.f32 @!p0 [tilespmem:s15], [sflag:$0x1], $0x1, s29, s16, $0xb8;
	[tilespmem:$0x14A80] =	vst v63  }
0xe2: {  	_ =	swait.ge @!p0 [sflag:s8], $0x80  }
0xe3: {  	[sflag:s8] =	ssyncset.done @!p0 $0x0  }
0xe4: {  	s17 =	rddreg [dreg:$0x17];
	[sflag:s8] =	ssyncadd.s32 @!p0 $0xFFFFFF80  }
0xe5: {  	[tilespmem:s13], [sflag:$0x1] =	stream.strided.gather [hbm4b:s17+s12], $0x4000, s13, s12, $0x38;
	[tilespmem:$0x14A80] =	vst v63  }
0xe6: {  	_ =	swait.ge [sflag:s9], $0x4000  }
0xe7: {  	s19 =	sld [smem:$0x7FB]  }
0xe8: {  	[sflag:s9] =	ssyncset.done $0x0  }
0xe9: {  	[sflag:s9] =	ssyncadd.s32 $0xFFFFC000  }
0xea: {  	[spmem:s2] =	stream.indirect.scatter.add.f32 [tilespmem:s13], [sflag:$0x1], $0x80, s19, s14, $0xb8;
	[tilespmem:$0x14A80] =	vst v63  }
0xeb: {  	_ =	swait.ge [sflag:s9], $0x4000  }
0xec: {  	[sflag:s9] =	ssyncset.done $0x0  }
0xed: {  	s30 =	simm.s32 @!p0 $0x680;
	[sflag:s9] =	ssyncadd.s32 $0xFFFFC000  }
0xee: {  	[spmem:s3] =	stream.indirect.scatter.add.f32 @!p0 [tilespmem:s15], [sflag:$0x1], $0x1, s30, s16, $0xb8;
	[tilespmem:$0x14A80] =	vst v63  }
0xef: {  	_ =	swait.ge @!p0 [sflag:s8], $0x80  }
0xf0: {  	[sflag:s8] =	ssyncset.done @!p0 $0x0  }
0xf1: {  	s20 =	rddreg [dreg:$0x18];
	[sflag:s8] =	ssyncadd.s32 @!p0 $0xFFFFFF80  }
0xf2: {  	[tilespmem:s13], [sflag:$0x1] =	stream.strided.gather [hbm4b:s20+s12], $0x4000, s13, s12, $0x38;
	[tilespmem:$0x14A80] =	vst v63  }
0xf3: {  	_ =	swait.ge [sflag:s9], $0x4000  }
0xf4: {  	s22 =	sld [smem:$0x7FC]  }
0xf5: {  	[sflag:s9] =	ssyncset.done $0x0  }
0xf6: {  	[sflag:s9] =	ssyncadd.s32 $0xFFFFC000  }
0xf7: {  	[spmem:s2] =	stream.indirect.scatter.add.f32 [tilespmem:s13], [sflag:$0x1], $0x80, s22, s14, $0xb8;
	[tilespmem:$0x14A80] =	vst v63  }
0xf8: {  	_ =	swait.ge [sflag:s9], $0x4000  }
0xf9: {  	[sflag:s9] =	ssyncset.done $0x0  }
0xfa: {  	s31 =	simm.s32 @!p0 $0x700;
	[sflag:s9] =	ssyncadd.s32 $0xFFFFC000  }
0xfb: {  	[spmem:s3] =	stream.indirect.scatter.add.f32 @!p0 [tilespmem:s15], [sflag:$0x1], $0x1, s31, s16, $0xb8;
	[tilespmem:$0x14A80] =	vst v63  }
0xfc: {  	_ =	swait.ge @!p0 [sflag:s8], $0x80  }
0xfd: {  	[sflag:s8] =	ssyncset.done @!p0 $0x0  }
0xfe: {  	s24 =	rddreg [dreg:$0x19];
	[sflag:s8] =	ssyncadd.s32 @!p0 $0xFFFFFF80  }
0xff: {  	[tilespmem:s13], [sflag:$0x1] =	stream.strided.gather [hbm4b:s24+s12], $0x4000, s13, s12, $0x38;
	[tilespmem:$0x14A80] =	vst v63  }
0x100: {  	_ =	swait.ge [sflag:s9], $0x4000  }
0x101: {  	s25 =	sld [smem:$0x7FD]  }
0x102: {  	[sflag:s9] =	ssyncset.done $0x0  }
0x103: {  	[sflag:s9] =	ssyncadd.s32 $0xFFFFC000  }
0x104: {  	[spmem:s2] =	stream.indirect.scatter.add.f32 [tilespmem:s13], [sflag:$0x1], $0x80, s25, s14, $0xb8;
	[tilespmem:$0x14A80] =	vst v63  }
0x105: {  	_ =	swait.ge [sflag:s9], $0x4000  }
0x106: {  	[sflag:s9] =	ssyncset.done $0x0  }
0x107: {  	s0 =	simm.s32 @p0 $0x80;
	s1 =	sshrl.u32 @p0 s23, $0x3;
	[sflag:s9] =	ssyncadd.s32 $0xFFFFC000  }
0x108: {  	s17 =	simm.s32 @p0 $0x8;
	s22 =	ssub.s32 $0x2, s21;
	[bflag:$0x0] =	sbarrier.arrive @p0 $0xFFFF  }
0x109: {  	s19 =	simm.s32 @p0 $0x100;
	s24 =	sshrl.u32 s22, $0x1;
	s20 =	rddreg [dreg:$0x1a]  }
0x10a: {  	[hbm:s20@s19], [sflag:s7] =	dma.strided @p0 [spmem:s1@s0], $0x2000, s17, $0x10   }
0x10b: {  	s22 =	ssub.s32 s22, s24;
	s20 =	simm.s32 @p0 $0x1  }
0x10c: {  	s22 =	smax.u32 s22, $0x1;
	_ =	swait.ge @p0 [sflag:s20], $0x2000  }
0x10d: {  	s22 =	sadd.s32 $0xFFFFFFFF, s22;
	[sflag:s20] =	ssyncset.done @p0 $0x0  }
0x10e: {  	s21 =	simm.s32 @!p0 $0x780;
	p1 =	sne.s32 s22, $0x0;
	[sflag:s20] =	ssyncadd.s32 @p0 $0xFFFFE000  }
0x10f: {  	[spmem:s3] =	stream.indirect.scatter.add.f32 @!p0 [tilespmem:s15], [sflag:$0x1], $0x1, s21, s16, $0xb8;
	[tilespmem:$0x14A80] =	vst v63  }
.Ltmp0:
0x110: {  	_ =	swait.ge @!p0 [sflag:s8], $0x80;
	(pc) =	sbr.rel @!p1 .LBB2_2-.Ltmp0, $4  }
0x111: {  	[sflag:s8] =	ssyncset.done @!p0 $0x0  }
0x112: {  	[sflag:s8] =	ssyncadd.s32 @!p0 $0xFFFFFF80  }
0x113: {  	s23 =	sshrl.u32 @!p0 s23, $0x3;
	s24 =	simm.s32 @!p0 $0x8;
	[bflag:$0x0] =	sbarrier.arrive @!p0 $0xFFFF  }
0x114: {  	[hbm:s6@s18], [sflag:s7] =	dma.strided @!p0 [spmem:s23@s16], $0x2000, s24, $0x10   }
.LBB2_1:
0x115: {  	_ =	swait.ge @!p0 [sflag:s8], $0x2000  }
0x116: {  	[sflag:s8] =	ssyncset.done @!p0 $0x0  }
0x117: {  	s25 =	rddreg [dreg:$0x1b];
	[sflag:s8] =	ssyncadd.s32 @!p0 $0xFFFFE000  }
0x118: {  	[hbm:s25], [sflag:s7] =	dma.local @!p0 [spmem:s11], $0x40  }
0x119: {  	_ =	swait.ge @!p0 [sflag:s8], $0x40  }
0x11a: {  	[sflag:s8] =	ssyncset.done @!p0 $0x0  }
0x11b: {  	s25 =	rddreg [dreg:$0x7];
	[sflag:s8] =	ssyncadd.s32 @!p0 $0xFFFFFFC0  }
0x11c: {  	[spmem:s10], [sflag:s7] =	dma.local [hbm:s25], $0x2000  }
0x11d: {  	_ =	swait.ge [sflag:s9], $0x2000  }
0x11e: {  	[sflag:s9] =	ssyncset.done $0x0;
	s11 =	rddreg [dreg:$0x8]  }
0x11f: {  	s25 =	rddreg [dreg:$0x9];
	[sflag:s9] =	ssyncadd.s32 $0xFFFFE000;
	s11 =	sshrl.u32 @!p0 s11, $0x3  }
0x120: {  	[spmem:s11], [sflag:s7] =	dma.local @!p0 [hbm:s25], $0x40  }
0x121: {  	_ =	swait.ge @!p0 [sflag:s8], $0x40  }
0x122: {  	[sflag:s8] =	ssyncset.done @!p0 $0x0  }
0x123: {  	s25 =	rddreg [dreg:$0xa];
	[sflag:s8] =	ssyncadd.s32 @!p0 $0xFFFFFFC0  }
0x124: {  	[tilespmem:s4], [sflag:$0x1] =	stream.linear.gather [hbm4b:s25+s4], $0x800, $0x38;
	[tilespmem:$0x14A80] =	vst v63  }
0x125: {  	_ =	swait.ge [sflag:s9], $0x800  }
0x126: {  	[sflag:s9] =	ssyncset.done $0x0  }
0x127: {  	[sflag:s9] =	ssyncadd.s32 $0xFFFFF800  }
0x128: {  	[tilespmem:$0x4870] =	vst v0  }
0x129: {  	[tilespmem:$0x4860] =	vst v0  }
0x12a: {  	[tilespmem:$0x4850] =	vst v0  }
0x12b: {  	[tilespmem:$0x4840] =	vst v0  }
0x12c: {  	[tilespmem:$0x4830] =	vst v0  }
0x12d: {  	[tilespmem:$0x4820] =	vst v0  }
0x12e: {  	[tilespmem:$0x4800] =	vst v0  }
0x12f: {  	[tilespmem:$0x4810] =	vst v0  }
0x130: {  	[bflag:$0x0] =	sbarrier.arrive $0xFFFF  }
0x131: {  	[tilespmem:s13], [sflag:$0x1] =	stream.strided.gather [hbm4b:s5+s12], $0x4000, s13, s12, $0x38;
	[tilespmem:$0x14A80] =	vst v63  }
0x132: {  	_ =	swait.ge [sflag:s9], $0x4000  }
0x133: {  	[sflag:s9] =	ssyncset.done $0x0  }
0x134: {  	[sflag:s9] =	ssyncadd.s32 $0xFFFFC000  }
0x135: {  	[spmem:s2] =	stream.indirect.scatter.add.f32 [tilespmem:s13], [sflag:$0x1], $0x80, s4, s14, $0xb8;
	[tilespmem:$0x14A80] =	vst v63  }
0x136: {  	_ =	swait.ge [sflag:s9], $0x4000  }
0x137: {  	[sflag:s9] =	ssyncset.done $0x0  }
0x138: {  	s25 =	simm.s32 @!p0 $0x0;
	[sflag:s9] =	ssyncadd.s32 $0xFFFFC000  }
0x139: {  	[spmem:s3] =	stream.indirect.scatter.add.f32 @!p0 [tilespmem:s15], [sflag:$0x1], $0x1, s25, s16, $0xb8;
	[tilespmem:$0x14A80] =	vst v63  }
0x13a: {  	_ =	swait.ge @!p0 [sflag:s8], $0x80  }
0x13b: {  	[sflag:s8] =	ssyncset.done @!p0 $0x0  }
0x13c: {  	s25 =	rddreg [dreg:$0xb];
	[sflag:s8] =	ssyncadd.s32 @!p0 $0xFFFFFF80  }
0x13d: {  	[tilespmem:s13], [sflag:$0x1] =	stream.strided.gather [hbm4b:s25+s12], $0x4000, s13, s12, $0x38;
	[tilespmem:$0x14A80] =	vst v63  }
0x13e: {  	_ =	swait.ge [sflag:s9], $0x4000  }
0x13f: {  	[sflag:s9] =	ssyncset.done $0x0  }
0x140: {  	[sflag:s9] =	ssyncadd.s32 $0xFFFFC000  }
0x141: {  	[spmem:s2] =	stream.indirect.scatter.add.f32 [tilespmem:s13], [sflag:$0x1], $0x80, s14, s14, $0xb8;
	[tilespmem:$0x14A80] =	vst v63  }
0x142: {  	_ =	swait.ge [sflag:s9], $0x4000  }
0x143: {  	[sflag:s9] =	ssyncset.done $0x0  }
0x144: {  	[sflag:s9] =	ssyncadd.s32 $0xFFFFC000  }
0x145: {  	[spmem:s3] =	stream.indirect.scatter.add.f32 @!p0 [tilespmem:s15], [sflag:$0x1], $0x1, s16, s16, $0xb8;
	[tilespmem:$0x14A80] =	vst v63  }
0x146: {  	_ =	swait.ge @!p0 [sflag:s8], $0x80  }
0x147: {  	[sflag:s8] =	ssyncset.done @!p0 $0x0  }
0x148: {  	s25 =	rddreg [dreg:$0xc];
	[sflag:s8] =	ssyncadd.s32 @!p0 $0xFFFFFF80  }
0x149: {  	[tilespmem:s13], [sflag:$0x1] =	stream.strided.gather [hbm4b:s25+s12], $0x4000, s13, s12, $0x38;
	[tilespmem:$0x14A80] =	vst v63  }
0x14a: {  	_ =	swait.ge [sflag:s9], $0x4000  }
0x14b: {  	[sflag:s9] =	ssyncset.done $0x0  }
0x14c: {  	s25 =	rddreg [dreg:$0x1c];
	[sflag:s9] =	ssyncadd.s32 $0xFFFFC000  }
0x14d: {  	[spmem:s2] =	stream.indirect.scatter.add.f32 [tilespmem:s13], [sflag:$0x1], $0x80, s25, s14, $0xb8;
	[tilespmem:$0x14A80] =	vst v63  }
0x14e: {  	_ =	swait.ge [sflag:s9], $0x4000  }
0x14f: {  	[sflag:s9] =	ssyncset.done $0x0  }
0x150: {  	[sflag:s9] =	ssyncadd.s32 $0xFFFFC000  }
0x151: {  	[spmem:s3] =	stream.indirect.scatter.add.f32 @!p0 [tilespmem:s15], [sflag:$0x1], $0x1, s18, s16, $0xb8;
	[tilespmem:$0x14A80] =	vst v63  }
0x152: {  	_ =	swait.ge @!p0 [sflag:s8], $0x80  }
0x153: {  	[sflag:s8] =	ssyncset.done @!p0 $0x0  }
0x154: {  	s25 =	rddreg [dreg:$0xd];
	[sflag:s8] =	ssyncadd.s32 @!p0 $0xFFFFFF80  }
0x155: {  	[tilespmem:s13], [sflag:$0x1] =	stream.strided.gather [hbm4b:s25+s12], $0x4000, s13, s12, $0x38;
	[tilespmem:$0x14A80] =	vst v63  }
0x156: {  	_ =	swait.ge [sflag:s9], $0x4000  }
0x157: {  	[sflag:s9] =	ssyncset.done $0x0  }
0x158: {  	s25 =	rddreg [dreg:$0x1d];
	[sflag:s9] =	ssyncadd.s32 $0xFFFFC000  }
0x159: {  	[spmem:s2] =	stream.indirect.scatter.add.f32 [tilespmem:s13], [sflag:$0x1], $0x80, s25, s14, $0xb8;
	[tilespmem:$0x14A80] =	vst v63  }
0x15a: {  	_ =	swait.ge [sflag:s9], $0x4000  }
0x15b: {  	[sflag:s9] =	ssyncset.done $0x0  }
0x15c: {  	s25 =	simm.s32 @!p0 $0x180;
	[sflag:s9] =	ssyncadd.s32 $0xFFFFC000  }
0x15d: {  	[spmem:s3] =	stream.indirect.scatter.add.f32 @!p0 [tilespmem:s15], [sflag:$0x1], $0x1, s25, s16, $0xb8;
	[tilespmem:$0x14A80] =	vst v63  }
0x15e: {  	_ =	swait.ge @!p0 [sflag:s8], $0x80  }
0x15f: {  	[sflag:s8] =	ssyncset.done @!p0 $0x0  }
0x160: {  	s25 =	rddreg [dreg:$0xe];
	[sflag:s8] =	ssyncadd.s32 @!p0 $0xFFFFFF80  }
0x161: {  	[tilespmem:s13], [sflag:$0x1] =	stream.strided.gather [hbm4b:s25+s12], $0x4000, s13, s12, $0x38;
	[tilespmem:$0x14A80] =	vst v63  }
0x162: {  	_ =	swait.ge [sflag:s9], $0x4000  }
0x163: {  	[sflag:s9] =	ssyncset.done $0x0  }
0x164: {  	s25 =	rddreg [dreg:$0x1e];
	[sflag:s9] =	ssyncadd.s32 $0xFFFFC000  }
0x165: {  	[spmem:s2] =	stream.indirect.scatter.add.f32 [tilespmem:s13], [sflag:$0x1], $0x80, s25, s14, $0xb8;
	[tilespmem:$0x14A80] =	vst v63  }
0x166: {  	_ =	swait.ge [sflag:s9], $0x4000  }
0x167: {  	[sflag:s9] =	ssyncset.done $0x0  }
0x168: {  	s25 =	simm.s32 @!p0 $0x200;
	[sflag:s9] =	ssyncadd.s32 $0xFFFFC000  }
0x169: {  	[spmem:s3] =	stream.indirect.scatter.add.f32 @!p0 [tilespmem:s15], [sflag:$0x1], $0x1, s25, s16, $0xb8;
	[tilespmem:$0x14A80] =	vst v63  }
0x16a: {  	_ =	swait.ge @!p0 [sflag:s8], $0x80  }
0x16b: {  	[sflag:s8] =	ssyncset.done @!p0 $0x0  }
0x16c: {  	s25 =	rddreg [dreg:$0xf];
	[sflag:s8] =	ssyncadd.s32 @!p0 $0xFFFFFF80  }
0x16d: {  	[tilespmem:s13], [sflag:$0x1] =	stream.strided.gather [hbm4b:s25+s12], $0x4000, s13, s12, $0x38;
	[tilespmem:$0x14A80] =	vst v63  }
0x16e: {  	_ =	swait.ge [sflag:s9], $0x4000  }
0x16f: {  	[sflag:s9] =	ssyncset.done $0x0  }
0x170: {  	s25 =	rddreg [dreg:$0x1f];
	[sflag:s9] =	ssyncadd.s32 $0xFFFFC000  }
0x171: {  	[spmem:s2] =	stream.indirect.scatter.add.f32 [tilespmem:s13], [sflag:$0x1], $0x80, s25, s14, $0xb8;
	[tilespmem:$0x14A80] =	vst v63  }
0x172: {  	_ =	swait.ge [sflag:s9], $0x4000  }
0x173: {  	[sflag:s9] =	ssyncset.done $0x0  }
0x174: {  	s25 =	simm.s32 @!p0 $0x280;
	[sflag:s9] =	ssyncadd.s32 $0xFFFFC000  }
0x175: {  	[spmem:s3] =	stream.indirect.scatter.add.f32 @!p0 [tilespmem:s15], [sflag:$0x1], $0x1, s25, s16, $0xb8;
	[tilespmem:$0x14A80] =	vst v63  }
0x176: {  	_ =	swait.ge @!p0 [sflag:s8], $0x80  }
0x177: {  	[sflag:s8] =	ssyncset.done @!p0 $0x0  }
0x178: {  	s25 =	rddreg [dreg:$0x10];
	[sflag:s8] =	ssyncadd.s32 @!p0 $0xFFFFFF80  }
0x179: {  	[tilespmem:s13], [sflag:$0x1] =	stream.strided.gather [hbm4b:s25+s12], $0x4000, s13, s12, $0x38;
	[tilespmem:$0x14A80] =	vst v63  }
0x17a: {  	_ =	swait.ge [sflag:s9], $0x4000  }
0x17b: {  	s25 =	sld [smem:$0x7F5]  }
0x17c: {  	[sflag:s9] =	ssyncset.done $0x0  }
0x17d: {  	[sflag:s9] =	ssyncadd.s32 $0xFFFFC000  }
0x17e: {  	[spmem:s2] =	stream.indirect.scatter.add.f32 [tilespmem:s13], [sflag:$0x1], $0x80, s25, s14, $0xb8;
	[tilespmem:$0x14A80] =	vst v63  }
0x17f: {  	_ =	swait.ge [sflag:s9], $0x4000  }
0x180: {  	[sflag:s9] =	ssyncset.done $0x0  }
0x181: {  	s25 =	simm.s32 @!p0 $0x300;
	[sflag:s9] =	ssyncadd.s32 $0xFFFFC000  }
0x182: {  	[spmem:s3] =	stream.indirect.scatter.add.f32 @!p0 [tilespmem:s15], [sflag:$0x1], $0x1, s25, s16, $0xb8;
	[tilespmem:$0x14A80] =	vst v63  }
0x183: {  	_ =	swait.ge @!p0 [sflag:s8], $0x80  }
0x184: {  	[sflag:s8] =	ssyncset.done @!p0 $0x0  }
0x185: {  	s25 =	rddreg [dreg:$0x11];
	[sflag:s8] =	ssyncadd.s32 @!p0 $0xFFFFFF80  }
0x186: {  	[tilespmem:s13], [sflag:$0x1] =	stream.strided.gather [hbm4b:s25+s12], $0x4000, s13, s12, $0x38;
	[tilespmem:$0x14A80] =	vst v63  }
0x187: {  	_ =	swait.ge [sflag:s9], $0x4000  }
0x188: {  	s25 =	sld [smem:$0x7F6]  }
0x189: {  	[sflag:s9] =	ssyncset.done $0x0  }
0x18a: {  	[sflag:s9] =	ssyncadd.s32 $0xFFFFC000  }
0x18b: {  	[spmem:s2] =	stream.indirect.scatter.add.f32 [tilespmem:s13], [sflag:$0x1], $0x80, s25, s14, $0xb8;
	[tilespmem:$0x14A80] =	vst v63  }
0x18c: {  	_ =	swait.ge [sflag:s9], $0x4000  }
0x18d: {  	[sflag:s9] =	ssyncset.done $0x0  }
0x18e: {  	s25 =	simm.s32 @!p0 $0x380;
	[sflag:s9] =	ssyncadd.s32 $0xFFFFC000  }
0x18f: {  	[spmem:s3] =	stream.indirect.scatter.add.f32 @!p0 [tilespmem:s15], [sflag:$0x1], $0x1, s25, s16, $0xb8;
	[tilespmem:$0x14A80] =	vst v63  }
0x190: {  	_ =	swait.ge @!p0 [sflag:s8], $0x80  }
0x191: {  	[sflag:s8] =	ssyncset.done @!p0 $0x0  }
0x192: {  	s25 =	rddreg [dreg:$0x12];
	[sflag:s8] =	ssyncadd.s32 @!p0 $0xFFFFFF80  }
0x193: {  	[tilespmem:s13], [sflag:$0x1] =	stream.strided.gather [hbm4b:s25+s12], $0x4000, s13, s12, $0x38;
	[tilespmem:$0x14A80] =	vst v63  }
0x194: {  	_ =	swait.ge [sflag:s9], $0x4000  }
0x195: {  	[sflag:s9] =	ssyncset.done $0x0  }
0x196: {  	[sflag:s9] =	ssyncadd.s32 $0xFFFFC000  }
0x197: {  	[spmem:s2] =	stream.indirect.scatter.add.f32 [tilespmem:s13], [sflag:$0x1], $0x80, s12, s14, $0xb8;
	[tilespmem:$0x14A80] =	vst v63  }
0x198: {  	_ =	swait.ge [sflag:s9], $0x4000  }
0x199: {  	[sflag:s9] =	ssyncset.done $0x0  }
0x19a: {  	s25 =	simm.s32 @!p0 $0x400;
	[sflag:s9] =	ssyncadd.s32 $0xFFFFC000  }
0x19b: {  	[spmem:s3] =	stream.indirect.scatter.add.f32 @!p0 [tilespmem:s15], [sflag:$0x1], $0x1, s25, s16, $0xb8;
	[tilespmem:$0x14A80] =	vst v63  }
0x19c: {  	_ =	swait.ge @!p0 [sflag:s8], $0x80  }
0x19d: {  	[sflag:s8] =	ssyncset.done @!p0 $0x0  }
0x19e: {  	s25 =	rddreg [dreg:$0x13];
	[sflag:s8] =	ssyncadd.s32 @!p0 $0xFFFFFF80  }
0x19f: {  	[tilespmem:s13], [sflag:$0x1] =	stream.strided.gather [hbm4b:s25+s12], $0x4000, s13, s12, $0x38;
	[tilespmem:$0x14A80] =	vst v63  }
0x1a0: {  	_ =	swait.ge [sflag:s9], $0x4000  }
0x1a1: {  	s25 =	sld [smem:$0x7F7]  }
0x1a2: {  	[sflag:s9] =	ssyncset.done $0x0  }
0x1a3: {  	[sflag:s9] =	ssyncadd.s32 $0xFFFFC000  }
0x1a4: {  	[spmem:s2] =	stream.indirect.scatter.add.f32 [tilespmem:s13], [sflag:$0x1], $0x80, s25, s14, $0xb8;
	[tilespmem:$0x14A80] =	vst v63  }
0x1a5: {  	_ =	swait.ge [sflag:s9], $0x4000  }
0x1a6: {  	[sflag:s9] =	ssyncset.done $0x0  }
0x1a7: {  	s25 =	simm.s32 @!p0 $0x480;
	[sflag:s9] =	ssyncadd.s32 $0xFFFFC000  }
0x1a8: {  	[spmem:s3] =	stream.indirect.scatter.add.f32 @!p0 [tilespmem:s15], [sflag:$0x1], $0x1, s25, s16, $0xb8;
	[tilespmem:$0x14A80] =	vst v63  }
0x1a9: {  	_ =	swait.ge @!p0 [sflag:s8], $0x80  }
0x1aa: {  	[sflag:s8] =	ssyncset.done @!p0 $0x0  }
0x1ab: {  	s25 =	rddreg [dreg:$0x14];
	[sflag:s8] =	ssyncadd.s32 @!p0 $0xFFFFFF80  }
0x1ac: {  	[tilespmem:s13], [sflag:$0x1] =	stream.strided.gather [hbm4b:s25+s12], $0x4000, s13, s12, $0x38;
	[tilespmem:$0x14A80] =	vst v63  }
0x1ad: {  	_ =	swait.ge [sflag:s9], $0x4000  }
0x1ae: {  	s25 =	sld [smem:$0x7F8]  }
0x1af: {  	[sflag:s9] =	ssyncset.done $0x0  }
0x1b0: {  	[sflag:s9] =	ssyncadd.s32 $0xFFFFC000  }
0x1b1: {  	[spmem:s2] =	stream.indirect.scatter.add.f32 [tilespmem:s13], [sflag:$0x1], $0x80, s25, s14, $0xb8;
	[tilespmem:$0x14A80] =	vst v63  }
0x1b2: {  	_ =	swait.ge [sflag:s9], $0x4000  }
0x1b3: {  	[sflag:s9] =	ssyncset.done $0x0  }
0x1b4: {  	[sflag:s9] =	ssyncadd.s32 $0xFFFFC000  }
0x1b5: {  	[spmem:s3] =	stream.indirect.scatter.add.f32 @!p0 [tilespmem:s15], [sflag:$0x1], $0x1, s26, s16, $0xb8;
	[tilespmem:$0x14A80] =	vst v63  }
0x1b6: {  	_ =	swait.ge @!p0 [sflag:s8], $0x80  }
0x1b7: {  	[sflag:s8] =	ssyncset.done @!p0 $0x0  }
0x1b8: {  	s25 =	rddreg [dreg:$0x15];
	[sflag:s8] =	ssyncadd.s32 @!p0 $0xFFFFFF80  }
0x1b9: {  	[tilespmem:s13], [sflag:$0x1] =	stream.strided.gather [hbm4b:s25+s12], $0x4000, s13, s12, $0x38;
	[tilespmem:$0x14A80] =	vst v63  }
0x1ba: {  	_ =	swait.ge [sflag:s9], $0x4000  }
0x1bb: {  	s25 =	sld [smem:$0x7F9]  }
0x1bc: {  	[sflag:s9] =	ssyncset.done $0x0  }
0x1bd: {  	[sflag:s9] =	ssyncadd.s32 $0xFFFFC000  }
0x1be: {  	[spmem:s2] =	stream.indirect.scatter.add.f32 [tilespmem:s13], [sflag:$0x1], $0x80, s25, s14, $0xb8;
	[tilespmem:$0x14A80] =	vst v63  }
0x1bf: {  	_ =	swait.ge [sflag:s9], $0x4000  }
0x1c0: {  	[sflag:s9] =	ssyncset.done $0x0  }
0x1c1: {  	[sflag:s9] =	ssyncadd.s32 $0xFFFFC000  }
0x1c2: {  	[spmem:s3] =	stream.indirect.scatter.add.f32 @!p0 [tilespmem:s15], [sflag:$0x1], $0x1, s28, s16, $0xb8;
	[tilespmem:$0x14A80] =	vst v63  }
0x1c3: {  	_ =	swait.ge @!p0 [sflag:s8], $0x80  }
0x1c4: {  	[sflag:s8] =	ssyncset.done @!p0 $0x0  }
0x1c5: {  	s25 =	rddreg [dreg:$0x16];
	[sflag:s8] =	ssyncadd.s32 @!p0 $0xFFFFFF80  }
0x1c6: {  	[tilespmem:s13], [sflag:$0x1] =	stream.strided.gather [hbm4b:s25+s12], $0x4000, s13, s12, $0x38;
	[tilespmem:$0x14A80] =	vst v63  }
0x1c7: {  	_ =	swait.ge [sflag:s9], $0x4000  }
0x1c8: {  	s25 =	sld [smem:$0x7FA]  }
0x1c9: {  	[sflag:s9] =	ssyncset.done $0x0  }
0x1ca: {  	[sflag:s9] =	ssyncadd.s32 $0xFFFFC000  }
0x1cb: {  	[spmem:s2] =	stream.indirect.scatter.add.f32 [tilespmem:s13], [sflag:$0x1], $0x80, s25, s14, $0xb8;
	[tilespmem:$0x14A80] =	vst v63  }
0x1cc: {  	_ =	swait.ge [sflag:s9], $0x4000  }
0x1cd: {  	[sflag:s9] =	ssyncset.done $0x0  }
0x1ce: {  	[sflag:s9] =	ssyncadd.s32 $0xFFFFC000  }
0x1cf: {  	[spmem:s3] =	stream.indirect.scatter.add.f32 @!p0 [tilespmem:s15], [sflag:$0x1], $0x1, s29, s16, $0xb8;
	[tilespmem:$0x14A80] =	vst v63  }
0x1d0: {  	_ =	swait.ge @!p0 [sflag:s8], $0x80  }
0x1d1: {  	[sflag:s8] =	ssyncset.done @!p0 $0x0  }
0x1d2: {  	s25 =	rddreg [dreg:$0x17];
	[sflag:s8] =	ssyncadd.s32 @!p0 $0xFFFFFF80  }
0x1d3: {  	[tilespmem:s13], [sflag:$0x1] =	stream.strided.gather [hbm4b:s25+s12], $0x4000, s13, s12, $0x38;
	[tilespmem:$0x14A80] =	vst v63  }
0x1d4: {  	_ =	swait.ge [sflag:s9], $0x4000  }
0x1d5: {  	s25 =	sld [smem:$0x7FB]  }
0x1d6: {  	[sflag:s9] =	ssyncset.done $0x0  }
0x1d7: {  	[sflag:s9] =	ssyncadd.s32 $0xFFFFC000  }
0x1d8: {  	[spmem:s2] =	stream.indirect.scatter.add.f32 [tilespmem:s13], [sflag:$0x1], $0x80, s25, s14, $0xb8;
	[tilespmem:$0x14A80] =	vst v63  }
0x1d9: {  	_ =	swait.ge [sflag:s9], $0x4000  }
0x1da: {  	[sflag:s9] =	ssyncset.done $0x0  }
0x1db: {  	[sflag:s9] =	ssyncadd.s32 $0xFFFFC000  }
0x1dc: {  	[spmem:s3] =	stream.indirect.scatter.add.f32 @!p0 [tilespmem:s15], [sflag:$0x1], $0x1, s30, s16, $0xb8;
	[tilespmem:$0x14A80] =	vst v63  }
0x1dd: {  	_ =	swait.ge @!p0 [sflag:s8], $0x80  }
0x1de: {  	[sflag:s8] =	ssyncset.done @!p0 $0x0  }
0x1df: {  	s25 =	rddreg [dreg:$0x18];
	[sflag:s8] =	ssyncadd.s32 @!p0 $0xFFFFFF80  }
0x1e0: {  	[tilespmem:s13], [sflag:$0x1] =	stream.strided.gather [hbm4b:s25+s12], $0x4000, s13, s12, $0x38;
	[tilespmem:$0x14A80] =	vst v63  }
0x1e1: {  	_ =	swait.ge [sflag:s9], $0x4000  }
0x1e2: {  	s25 =	sld [smem:$0x7FC]  }
0x1e3: {  	[sflag:s9] =	ssyncset.done $0x0  }
0x1e4: {  	[sflag:s9] =	ssyncadd.s32 $0xFFFFC000  }
0x1e5: {  	[spmem:s2] =	stream.indirect.scatter.add.f32 [tilespmem:s13], [sflag:$0x1], $0x80, s25, s14, $0xb8;
	[tilespmem:$0x14A80] =	vst v63  }
0x1e6: {  	_ =	swait.ge [sflag:s9], $0x4000  }
0x1e7: {  	[sflag:s9] =	ssyncset.done $0x0  }
0x1e8: {  	[sflag:s9] =	ssyncadd.s32 $0xFFFFC000  }
0x1e9: {  	[spmem:s3] =	stream.indirect.scatter.add.f32 @!p0 [tilespmem:s15], [sflag:$0x1], $0x1, s31, s16, $0xb8;
	[tilespmem:$0x14A80] =	vst v63  }
0x1ea: {  	_ =	swait.ge @!p0 [sflag:s8], $0x80  }
0x1eb: {  	[sflag:s8] =	ssyncset.done @!p0 $0x0  }
0x1ec: {  	s25 =	rddreg [dreg:$0x19];
	[sflag:s8] =	ssyncadd.s32 @!p0 $0xFFFFFF80  }
0x1ed: {  	[tilespmem:s13], [sflag:$0x1] =	stream.strided.gather [hbm4b:s25+s12], $0x4000, s13, s12, $0x38;
	[tilespmem:$0x14A80] =	vst v63  }
0x1ee: {  	_ =	swait.ge [sflag:s9], $0x4000  }
0x1ef: {  	s25 =	sld [smem:$0x7FD]  }
0x1f0: {  	[sflag:s9] =	ssyncset.done $0x0  }
0x1f1: {  	[sflag:s9] =	ssyncadd.s32 $0xFFFFC000  }
0x1f2: {  	[spmem:s2] =	stream.indirect.scatter.add.f32 [tilespmem:s13], [sflag:$0x1], $0x80, s25, s14, $0xb8;
	[tilespmem:$0x14A80] =	vst v63  }
0x1f3: {  	_ =	swait.ge [sflag:s9], $0x4000  }
0x1f4: {  	[sflag:s9] =	ssyncset.done $0x0  }
0x1f5: {  	[sflag:s9] =	ssyncadd.s32 $0xFFFFC000  }
0x1f6: {  	[bflag:$0x0] =	sbarrier.arrive @p0 $0xFFFF  }
0x1f7: {  	s25 =	rddreg [dreg:$0x1a]  }
0x1f8: {  	[hbm:s25@s19], [sflag:s7] =	dma.strided @p0 [spmem:s1@s0], $0x2000, s17, $0x10   }
0x1f9: {  	_ =	swait.ge @p0 [sflag:s20], $0x2000  }
0x1fa: {  	s22 =	sadd.s32 $0xFFFFFFFF, s22;
	[sflag:s20] =	ssyncset.done @p0 $0x0  }
0x1fb: {  	p1 =	sne.s32 s22, $0x0;
	[sflag:s20] =	ssyncadd.s32 @p0 $0xFFFFE000  }
0x1fc: {  	[spmem:s3] =	stream.indirect.scatter.add.f32 @!p0 [tilespmem:s15], [sflag:$0x1], $0x1, s21, s16, $0xb8;
	[tilespmem:$0x14A80] =	vst v63  }
.Ltmp1:
0x1fd: {  	_ =	swait.ge @!p0 [sflag:s8], $0x80;
	(pc) =	sbr.rel @p1 .LBB2_1-.Ltmp1, $4  }
0x1fe: {  	[sflag:s8] =	ssyncset.done @!p0 $0x0  }
0x1ff: {  	[sflag:s8] =	ssyncadd.s32 @!p0 $0xFFFFFF80  }
0x200: {  	[bflag:$0x0] =	sbarrier.arrive @!p0 $0xFFFF  }
0x201: {  	[hbm:s6@s18], [sflag:s7] =	dma.strided @!p0 [spmem:s23@s16], $0x2000, s24, $0x10   }
.LBB2_2:
0x202: {  	_ =	swait.ge @!p0 [sflag:s8], $0x2000  }
0x203: {  	[sflag:s8] =	ssyncset.done @!p0 $0x0  }
0x204: {  	s0 =	rddreg [dreg:$0x1b];
	[sflag:s8] =	ssyncadd.s32 @!p0 $0xFFFFE000  }
0x205: {  	[hbm:s0], [sflag:s7] =	dma.local @!p0 [spmem:s11], $0x40  }
0x206: {  	_ =	swait.ge @!p0 [sflag:s8], $0x40  }
0x207: {  	[sflag:s8] =	ssyncset.done @!p0 $0x0  }
0x208: {  	[sflag:s8] =	ssyncadd.s32 @!p0 $0xFFFFFFC0  }
0x209: {  	_ =	sfence.sel $0x180000  }
0x20a: {  	[bflag:$0x0] =	sbarrier.arrive $0xFFFF  }
0x20b: {  	_ =	strace $0x90000047  }
0x20c: {  	s31 =	stileid.u32;
	[bflag:$0x2] =	sbarrier.arrive $0xFFFF  }
0x20d: {  	p0 =	sne.s32 s31, $0x0;
	s0 =	rddreg [dreg:$0x6]  }
0x20e: {  	s0 =	sadd.s32 @!p0 $0x100000, s0  }
0x20f: {  	[sflag:s0] =	ssyncadd.tile.s32 @!p0 $0x1;
	_ =	shalt  }
.Lfunc_end2:
_tile_overlayer_lowered:
.L_overlay_start_2:
0x210: {  	(tag) =	ssettag $0x2  }
0x211: {  	s0 =	rddreg [dreg:$0x0];
	s2 =	stileid.u32  }
0x212: {  	s1 =	rddreg [dreg:$0x1];
	p0 =	sne.s32 s2, $0x0  }
0x213: {  	s3 =	rddreg [dreg:$0x2];
	[bflag:$0x3] =	sbarrier.arrive $0xFFFF;
	s2 =	simm.s32 @!p0 $0x1C01  }
0x214: {  	[timem:s3], [sflag:s2] =	dma.local @!p0 [hbm:s0], s1  }
0x215: {  	s0 =	simm.s32 @!p0 $0x1  }
0x216: {  	_ =	swait.ge @!p0 [sflag:s0], s1  }
0x217: {  	s1 =	ssub.s32 @!p0 $0x0, s1;
	[sflag:s0] =	ssyncset.done @!p0 $0x0  }
0x218: {  	[sflag:s0] =	ssyncadd.s32 @!p0 s1  }
0x219: {  	[bflag:$0x3] =	sbarrier.arrive $0xFFFF  }
0x21a: {  	_ =	shalt  }

</sc_bundles>
